<compile_context>
chip_gen: v7x
topology: tpu7x:2x2x1
jax: 0.10.2.dev20260603
libtpu: 0.0.44.dev20260713+nightly
codegen_flags: <defaults>
</compile_context>

<pallas_src>
import functools

import jax
import jax.numpy as jnp
from jax import lax
from jax.experimental import pallas as pl
from jax.experimental.pallas import tpu as pltpu
from jax.experimental.pallas import tpu_sc as plsc

N_NODES = 100000
N_EDGES = 1600000
C_REAL = 12
C_PAD = 16
NC = 2
NS = 16
L = 16
CHUNK = 128
E_PAD = ((N_EDGES + NS * CHUNK - 1) // (NS * CHUNK)) * (NS * CHUNK)
EPT = E_PAD // NS
NCHUNK = EPT // CHUNK
N_PADN = 100352
ROWS_PER_TILE = N_PADN // NS
RD = 784


def _body(xh, ii, jj, out,
          ii_raw, jj_raw, ii_off, jj_off, xi, xj, gp, gn, rw, acc,
          sem_i, sem_j):
    c = lax.axis_index("c")
    s = lax.axis_index("s")

    zero = jnp.zeros((L,), jnp.float32)

    def zrow(r, carry):
        rw[r, :] = zero
        return carry

    lax.fori_loop(0, RD, zrow, 0)
    row_base = s * ROWS_PER_TILE
    for t in range(ROWS_PER_TILE // RD):
        pltpu.sync_copy(rw, acc.at[pl.ds(row_base + t * RD, RD)])
    plsc.subcore_barrier()

    offv = jnp.full((L,), c * N_PADN, jnp.int32)
    ebase = s * EPT

    def chunk(g, carry):
        b = ebase + g * CHUNK
        pltpu.sync_copy(ii.at[pl.ds(b, CHUNK)], ii_raw)
        pltpu.sync_copy(jj.at[pl.ds(b, CHUNK)], jj_raw)
        for k in range(CHUNK // L):
            sl = pl.ds(k * L, L)
            ii_off[sl] = ii_raw[sl] + offv
            jj_off[sl] = jj_raw[sl] + offv
        cp_i = pltpu.async_copy(xh.at[ii_off], xi, sem_i)
        cp_j = pltpu.async_copy(xh.at[jj_off], xj, sem_j)
        cp_i.wait()
        cp_j.wait()

        def row(r, carry2):
            a = xi[r, :]
            b2 = xj[r, :]
            gp[r, :] = a - b2
            gn[r, :] = b2 - a
            return carry2

        lax.fori_loop(0, CHUNK, row, 0)
        pltpu.sync_copy(gp, acc.at[ii_raw], add=True)
        pltpu.sync_copy(gn, acc.at[jj_raw], add=True)
        return carry

    lax.fori_loop(0, NCHUNK, chunk, 0)
    plsc.subcore_barrier()

    out_base = c * N_PADN + s * ROWS_PER_TILE
    for t in range(ROWS_PER_TILE // RD):
        pltpu.sync_copy(acc.at[pl.ds(row_base + t * RD, RD)], rw)
        pltpu.sync_copy(rw, out.at[pl.ds(out_base + t * RD, RD)])


_graph_lap = functools.partial(
    pl.kernel,
    out_type=jax.ShapeDtypeStruct((NC * N_PADN, C_PAD), jnp.float32),
    mesh=plsc.VectorSubcoreMesh(core_axis_name="c", subcore_axis_name="s"),
    compiler_params=pltpu.CompilerParams(use_tc_tiling_on_sc=False),
    scratch_types=[
        pltpu.VMEM((CHUNK,), jnp.int32),
        pltpu.VMEM((CHUNK,), jnp.int32),
        pltpu.VMEM((CHUNK,), jnp.int32),
        pltpu.VMEM((CHUNK,), jnp.int32),
        pltpu.VMEM((CHUNK, C_PAD), jnp.float32),
        pltpu.VMEM((CHUNK, C_PAD), jnp.float32),
        pltpu.VMEM((CHUNK, C_PAD), jnp.float32),
        pltpu.VMEM((CHUNK, C_PAD), jnp.float32),
        pltpu.VMEM((RD, C_PAD), jnp.float32),
        pltpu.VMEM_SHARED((N_PADN, C_PAD), jnp.float32),
        pltpu.SemaphoreType.DMA,
        pltpu.SemaphoreType.DMA,
    ],
)(_body)


def kernel(x, iInd, jInd):
    ii = iInd.astype(jnp.int32)
    jj = jInd.astype(jnp.int32)
    xt = jnp.transpose(x.reshape(24, N_NODES))
    zpad = jnp.zeros((N_NODES, C_PAD - C_REAL), jnp.float32)
    zrows = jnp.zeros((N_PADN - N_NODES, C_PAD), jnp.float32)
    xh = jnp.concatenate(
        [
            jnp.concatenate([xt[:, :C_REAL], zpad], axis=1),
            zrows,
            jnp.concatenate([xt[:, C_REAL:], zpad], axis=1),
            zrows,
        ],
        axis=0,
    )
    epad = jnp.zeros((E_PAD - N_EDGES,), jnp.int32)
    ii_p = jnp.concatenate([ii, epad])
    jj_p = jnp.concatenate([jj, epad])
    o = _graph_lap(xh, ii_p, jj_p)
    full = jnp.concatenate(
        [o[:N_NODES, :C_REAL], o[N_PADN:N_PADN + N_NODES, :C_REAL]], axis=1)
    return jnp.transpose(full).reshape(1, 8, 3, N_NODES)

# --- scband reference (transcript-rebuilt; emitter-appended) ---
"""Pipeline reference for scband-vector-graph-8358006358517 (READ-ONLY COPY).

The authoritative reference and input builder live on the scoring server;
editing this copy changes nothing except your own understanding.
"""

import jax, jax.numpy as jnp
import numpy as np


def setup_inputs(seed: int = 0) -> dict:
    key = jax.random.key(seed)
    k1, k2, k3 = jax.random.split(key, 3)
    x = jax.random.normal(k1, (1, 8, 3, 100000), dtype=jnp.float32)
    iInd = jax.random.randint(k2, (1600000,), 0, 100000, dtype=jnp.int64 if jax.config.jax_enable_x64 else jnp.int32)
    jInd = jax.random.randint(k3, (1600000,), 0, 100000, dtype=jnp.int64 if jax.config.jax_enable_x64 else jnp.int32)
    return {"x": x, "iInd": iInd, "jInd": jInd}


def reference(x, iInd, jInd):
    # vectorGraph.nodeLap(x) with scalar weight W = 1.0:
    #   g = nodeGrad(x) = W * (x[..., iInd] - x[..., jInd])      (gather)
    #   d = edgeDiv(g):  zeros.index_add_(3, iInd, W*g); index_add_(3, jInd, -W*g)  (scatter-add)
    W = jnp.float32(1.0)
    nnodes = x.shape[3]
    # nodeGrad: gather along node axis
    g = W * (x[:, :, :, iInd] - x[:, :, :, jInd])
    # edgeDiv: scatter-add along node axis
    out = jnp.zeros((g.shape[0], g.shape[1], 3, nnodes), dtype=g.dtype)
    out = out.at[:, :, :, iInd].add(W * g)
    out = out.at[:, :, :, jInd].add(-W * g)
    return out

if __name__ == "__main__":
    import jax
    _d = setup_inputs()
    print(jax.jit(kernel)(*tuple(_d.values())))

</pallas_src>

<mosaic_0001>
#map = affine_map<(d0, d1) -> (0, 0)>
#map1 = affine_map<(d0, d1) -> (0)>
module attributes {stable_mosaic.version = 14 : i64} {
  func.func @_body(%arg0: i32, %arg1: i32, %arg2: memref<200704x16xf32, #tpu.memory_space<hbm>>, %arg3: memref<1601536xi32, #tpu.memory_space<hbm>>, %arg4: memref<1601536xi32, #tpu.memory_space<hbm>>, %arg5: memref<200704x16xf32, #tpu.memory_space<hbm>>, %arg6: memref<128xi32, #tpu.memory_space<vmem>>, %arg7: memref<128xi32, #tpu.memory_space<vmem>>, %arg8: memref<128xi32, #tpu.memory_space<vmem>>, %arg9: memref<128xi32, #tpu.memory_space<vmem>>, %arg10: memref<128x16xf32, #tpu.memory_space<vmem>>, %arg11: memref<128x16xf32, #tpu.memory_space<vmem>>, %arg12: memref<128x16xf32, #tpu.memory_space<vmem>>, %arg13: memref<128x16xf32, #tpu.memory_space<vmem>>, %arg14: memref<784x16xf32, #tpu.memory_space<vmem>>, %arg15: memref<100352x16xf32, #tpu.memory_space<vmem_shared>>, %arg16: memref<!tpu.dma_semaphore, #tpu.memory_space<semaphore_mem>>, %arg17: memref<!tpu.dma_semaphore, #tpu.memory_space<semaphore_mem>>) attributes {dimension_semantics = [#tpu.dimension_semantics<core_parallel>, #tpu.dimension_semantics<subcore_parallel>], iteration_bounds = array<i64: 2, 16>, scalar_prefetch = 0 : i64, scratch_operands = 12 : i64, tpu.core_type = #tpu.core_type<sc_vector_subcore>, window_params = [{transform_indices = #map}, {transform_indices = #map1}, {transform_indices = #map1}, {transform_indices = #map}]} {
    %broadcast_in_dim3A = arith.constant 0.000000e+00 : f32
    %broadcast_in_dim3A_0 = vector.broadcast %broadcast_in_dim3A : f32 to vector<16xf32>
    %scan3A = arith.constant 0 : i32
    %scan3A_1 = arith.constant 0 : i32
    %scan3A_2 = arith.constant 784 : i32
    %scan3A_3 = arith.addi %scan3A_1, %scan3A_2 : i32
    %scan3A_4 = arith.constant 1 : i32
    scf.for %scan3A_71 = %scan3A_1 to %scan3A_3 step %scan3A_4  : i32 {
      %swap3A = arith.index_cast %scan3A_71 : i32 to index
      %swap3A_72 = arith.constant 0 : index
      %swap3A_73 = tpu.vector_load %arg14[%swap3A, %swap3A_72] {strides = array<i32>} : memref<784x16xf32, #tpu.memory_space<vmem>>, vector<1x16xf32>,
      %swap3A_74 = vector.shape_cast %swap3A_73 : vector<1x16xf32> to vector<16xf32>
      %swap3A_75 = vector.shape_cast %broadcast_in_dim3A_0 : vector<16xf32> to vector<1x16xf32>
      tpu.vector_store %arg14[%swap3A, %swap3A_72], %swap3A_75 {strides = array<i32>} : memref<784x16xf32, #tpu.memory_space<vmem>>, vector<1x16xf32>,
    }
    %scan3A_5 = arith.constant 784 : i32
    %mul3A = arith.constant 6272 : i32
    %mul3A_6 = arith.muli %arg1, %mul3A : i32
    %add3A = arith.constant 0 : i32
    %add3A_7 = arith.addi %mul3A_6, %add3A : i32
    "tpu.region"() ({
      %run_scoped3A = tpu.sem_alloc : memref<!tpu.dma_semaphore, #tpu.memory_space<semaphore_mem>>
      %dma_start3A = arith.constant 0 : i32
      %dma_start3A_71 = tpu.memref_slice %arg15[%add3A_7, %dma_start3A] : memref<100352x16xf32, #tpu.memory_space<vmem_shared>> -> memref<784x16xf32, #tpu.memory_space<vmem_shared>>
      %dma_start3A_72 = arith.constant 0 : i32
      %dma_start3A_73 = tpu.memref_slice %arg15[%add3A_7, %dma_start3A_72] : memref<100352x16xf32, #tpu.memory_space<vmem_shared>> -> memref<784x16xf32, #tpu.memory_space<vmem_shared>>
      tpu.enqueue_dma source(%arg14 : memref<784x16xf32, #tpu.memory_space<vmem>>) target(%dma_start3A_73 : memref<784x16xf32, #tpu.memory_space<vmem_shared>>) target_semaphore(%run_scoped3A : memref<!tpu.dma_semaphore, #tpu.memory_space<semaphore_mem>>)
      %dma_wait3A = arith.constant 0 : i32
      %dma_wait3A_74 = tpu.memref_slice %arg15[%add3A_7, %dma_wait3A] : memref<100352x16xf32, #tpu.memory_space<vmem_shared>> -> memref<784x16xf32, #tpu.memory_space<vmem_shared>>
      %dma_wait3A_75 = arith.constant 0 : i32
      %dma_wait3A_76 = tpu.memref_slice %arg15[%add3A_7, %dma_wait3A_75] : memref<100352x16xf32, #tpu.memory_space<vmem_shared>> -> memref<784x16xf32, #tpu.memory_space<vmem_shared>>
      tpu.wait_dma2 semaphore(%run_scoped3A : memref<!tpu.dma_semaphore, #tpu.memory_space<semaphore_mem>>) src(%arg14 : memref<784x16xf32, #tpu.memory_space<vmem>>) dst(%dma_wait3A_76 : memref<784x16xf32, #tpu.memory_space<vmem_shared>>)
      tpu.yield
    }) : () -> ()
    %add3A_8 = arith.constant 784 : i32
    %add3A_9 = arith.addi %mul3A_6, %add3A_8 : i32
    "tpu.region"() ({
      %run_scoped3A = tpu.sem_alloc : memref<!tpu.dma_semaphore, #tpu.memory_space<semaphore_mem>>
      %dma_start3A = arith.constant 0 : i32
      %dma_start3A_71 = tpu.memref_slice %arg15[%add3A_9, %dma_start3A] : memref<100352x16xf32, #tpu.memory_space<vmem_shared>> -> memref<784x16xf32, #tpu.memory_space<vmem_shared>>
      %dma_start3A_72 = arith.constant 0 : i32
      %dma_start3A_73 = tpu.memref_slice %arg15[%add3A_9, %dma_start3A_72] : memref<100352x16xf32, #tpu.memory_space<vmem_shared>> -> memref<784x16xf32, #tpu.memory_space<vmem_shared>>
      tpu.enqueue_dma source(%arg14 : memref<784x16xf32, #tpu.memory_space<vmem>>) target(%dma_start3A_73 : memref<784x16xf32, #tpu.memory_space<vmem_shared>>) target_semaphore(%run_scoped3A : memref<!tpu.dma_semaphore, #tpu.memory_space<semaphore_mem>>)
      %dma_wait3A = arith.constant 0 : i32
      %dma_wait3A_74 = tpu.memref_slice %arg15[%add3A_9, %dma_wait3A] : memref<100352x16xf32, #tpu.memory_space<vmem_shared>> -> memref<784x16xf32, #tpu.memory_space<vmem_shared>>
      %dma_wait3A_75 = arith.constant 0 : i32
      %dma_wait3A_76 = tpu.memref_slice %arg15[%add3A_9, %dma_wait3A_75] : memref<100352x16xf32, #tpu.memory_space<vmem_shared>> -> memref<784x16xf32, #tpu.memory_space<vmem_shared>>
      tpu.wait_dma2 semaphore(%run_scoped3A : memref<!tpu.dma_semaphore, #tpu.memory_space<semaphore_mem>>) src(%arg14 : memref<784x16xf32, #tpu.memory_space<vmem>>) dst(%dma_wait3A_76 : memref<784x16xf32, #tpu.memory_space<vmem_shared>>)
      tpu.yield
    }) : () -> ()
    %add3A_10 = arith.constant 1568 : i32
    %add3A_11 = arith.addi %mul3A_6, %add3A_10 : i32
    "tpu.region"() ({
      %run_scoped3A = tpu.sem_alloc : memref<!tpu.dma_semaphore, #tpu.memory_space<semaphore_mem>>
      %dma_start3A = arith.constant 0 : i32
      %dma_start3A_71 = tpu.memref_slice %arg15[%add3A_11, %dma_start3A] : memref<100352x16xf32, #tpu.memory_space<vmem_shared>> -> memref<784x16xf32, #tpu.memory_space<vmem_shared>>
      %dma_start3A_72 = arith.constant 0 : i32
      %dma_start3A_73 = tpu.memref_slice %arg15[%add3A_11, %dma_start3A_72] : memref<100352x16xf32, #tpu.memory_space<vmem_shared>> -> memref<784x16xf32, #tpu.memory_space<vmem_shared>>
      tpu.enqueue_dma source(%arg14 : memref<784x16xf32, #tpu.memory_space<vmem>>) target(%dma_start3A_73 : memref<784x16xf32, #tpu.memory_space<vmem_shared>>) target_semaphore(%run_scoped3A : memref<!tpu.dma_semaphore, #tpu.memory_space<semaphore_mem>>)
      %dma_wait3A = arith.constant 0 : i32
      %dma_wait3A_74 = tpu.memref_slice %arg15[%add3A_11, %dma_wait3A] : memref<100352x16xf32, #tpu.memory_space<vmem_shared>> -> memref<784x16xf32, #tpu.memory_space<vmem_shared>>
      %dma_wait3A_75 = arith.constant 0 : i32
      %dma_wait3A_76 = tpu.memref_slice %arg15[%add3A_11, %dma_wait3A_75] : memref<100352x16xf32, #tpu.memory_space<vmem_shared>> -> memref<784x16xf32, #tpu.memory_space<vmem_shared>>
      tpu.wait_dma2 semaphore(%run_scoped3A : memref<!tpu.dma_semaphore, #tpu.memory_space<semaphore_mem>>) src(%arg14 : memref<784x16xf32, #tpu.memory_space<vmem>>) dst(%dma_wait3A_76 : memref<784x16xf32, #tpu.memory_space<vmem_shared>>)
      tpu.yield
    }) : () -> ()
    %add3A_12 = arith.constant 2352 : i32
    %add3A_13 = arith.addi %mul3A_6, %add3A_12 : i32
    "tpu.region"() ({
      %run_scoped3A = tpu.sem_alloc : memref<!tpu.dma_semaphore, #tpu.memory_space<semaphore_mem>>
      %dma_start3A = arith.constant 0 : i32
      %dma_start3A_71 = tpu.memref_slice %arg15[%add3A_13, %dma_start3A] : memref<100352x16xf32, #tpu.memory_space<vmem_shared>> -> memref<784x16xf32, #tpu.memory_space<vmem_shared>>
      %dma_start3A_72 = arith.constant 0 : i32
      %dma_start3A_73 = tpu.memref_slice %arg15[%add3A_13, %dma_start3A_72] : memref<100352x16xf32, #tpu.memory_space<vmem_shared>> -> memref<784x16xf32, #tpu.memory_space<vmem_shared>>
      tpu.enqueue_dma source(%arg14 : memref<784x16xf32, #tpu.memory_space<vmem>>) target(%dma_start3A_73 : memref<784x16xf32, #tpu.memory_space<vmem_shared>>) target_semaphore(%run_scoped3A : memref<!tpu.dma_semaphore, #tpu.memory_space<semaphore_mem>>)
      %dma_wait3A = arith.constant 0 : i32
      %dma_wait3A_74 = tpu.memref_slice %arg15[%add3A_13, %dma_wait3A] : memref<100352x16xf32, #tpu.memory_space<vmem_shared>> -> memref<784x16xf32, #tpu.memory_space<vmem_shared>>
      %dma_wait3A_75 = arith.constant 0 : i32
      %dma_wait3A_76 = tpu.memref_slice %arg15[%add3A_13, %dma_wait3A_75] : memref<100352x16xf32, #tpu.memory_space<vmem_shared>> -> memref<784x16xf32, #tpu.memory_space<vmem_shared>>
      tpu.wait_dma2 semaphore(%run_scoped3A : memref<!tpu.dma_semaphore, #tpu.memory_space<semaphore_mem>>) src(%arg14 : memref<784x16xf32, #tpu.memory_space<vmem>>) dst(%dma_wait3A_76 : memref<784x16xf32, #tpu.memory_space<vmem_shared>>)
      tpu.yield
    }) : () -> ()
    %add3A_14 = arith.constant 3136 : i32
    %add3A_15 = arith.addi %mul3A_6, %add3A_14 : i32
    "tpu.region"() ({
      %run_scoped3A = tpu.sem_alloc : memref<!tpu.dma_semaphore, #tpu.memory_space<semaphore_mem>>
      %dma_start3A = arith.constant 0 : i32
      %dma_start3A_71 = tpu.memref_slice %arg15[%add3A_15, %dma_start3A] : memref<100352x16xf32, #tpu.memory_space<vmem_shared>> -> memref<784x16xf32, #tpu.memory_space<vmem_shared>>
      %dma_start3A_72 = arith.constant 0 : i32
      %dma_start3A_73 = tpu.memref_slice %arg15[%add3A_15, %dma_start3A_72] : memref<100352x16xf32, #tpu.memory_space<vmem_shared>> -> memref<784x16xf32, #tpu.memory_space<vmem_shared>>
      tpu.enqueue_dma source(%arg14 : memref<784x16xf32, #tpu.memory_space<vmem>>) target(%dma_start3A_73 : memref<784x16xf32, #tpu.memory_space<vmem_shared>>) target_semaphore(%run_scoped3A : memref<!tpu.dma_semaphore, #tpu.memory_space<semaphore_mem>>)
      %dma_wait3A = arith.constant 0 : i32
      %dma_wait3A_74 = tpu.memref_slice %arg15[%add3A_15, %dma_wait3A] : memref<100352x16xf32, #tpu.memory_space<vmem_shared>> -> memref<784x16xf32, #tpu.memory_space<vmem_shared>>
      %dma_wait3A_75 = arith.constant 0 : i32
      %dma_wait3A_76 = tpu.memref_slice %arg15[%add3A_15, %dma_wait3A_75] : memref<100352x16xf32, #tpu.memory_space<vmem_shared>> -> memref<784x16xf32, #tpu.memory_space<vmem_shared>>
      tpu.wait_dma2 semaphore(%run_scoped3A : memref<!tpu.dma_semaphore, #tpu.memory_space<semaphore_mem>>) src(%arg14 : memref<784x16xf32, #tpu.memory_space<vmem>>) dst(%dma_wait3A_76 : memref<784x16xf32, #tpu.memory_space<vmem_shared>>)
      tpu.yield
    }) : () -> ()
    %add3A_16 = arith.constant 3920 : i32
    %add3A_17 = arith.addi %mul3A_6, %add3A_16 : i32
    "tpu.region"() ({
      %run_scoped3A = tpu.sem_alloc : memref<!tpu.dma_semaphore, #tpu.memory_space<semaphore_mem>>
      %dma_start3A = arith.constant 0 : i32
      %dma_start3A_71 = tpu.memref_slice %arg15[%add3A_17, %dma_start3A] : memref<100352x16xf32, #tpu.memory_space<vmem_shared>> -> memref<784x16xf32, #tpu.memory_space<vmem_shared>>
      %dma_start3A_72 = arith.constant 0 : i32
      %dma_start3A_73 = tpu.memref_slice %arg15[%add3A_17, %dma_start3A_72] : memref<100352x16xf32, #tpu.memory_space<vmem_shared>> -> memref<784x16xf32, #tpu.memory_space<vmem_shared>>
      tpu.enqueue_dma source(%arg14 : memref<784x16xf32, #tpu.memory_space<vmem>>) target(%dma_start3A_73 : memref<784x16xf32, #tpu.memory_space<vmem_shared>>) target_semaphore(%run_scoped3A : memref<!tpu.dma_semaphore, #tpu.memory_space<semaphore_mem>>)
      %dma_wait3A = arith.constant 0 : i32
      %dma_wait3A_74 = tpu.memref_slice %arg15[%add3A_17, %dma_wait3A] : memref<100352x16xf32, #tpu.memory_space<vmem_shared>> -> memref<784x16xf32, #tpu.memory_space<vmem_shared>>
      %dma_wait3A_75 = arith.constant 0 : i32
      %dma_wait3A_76 = tpu.memref_slice %arg15[%add3A_17, %dma_wait3A_75] : memref<100352x16xf32, #tpu.memory_space<vmem_shared>> -> memref<784x16xf32, #tpu.memory_space<vmem_shared>>
      tpu.wait_dma2 semaphore(%run_scoped3A : memref<!tpu.dma_semaphore, #tpu.memory_space<semaphore_mem>>) src(%arg14 : memref<784x16xf32, #tpu.memory_space<vmem>>) dst(%dma_wait3A_76 : memref<784x16xf32, #tpu.memory_space<vmem_shared>>)
      tpu.yield
    }) : () -> ()
    %add3A_18 = arith.constant 4704 : i32
    %add3A_19 = arith.addi %mul3A_6, %add3A_18 : i32
    "tpu.region"() ({
      %run_scoped3A = tpu.sem_alloc : memref<!tpu.dma_semaphore, #tpu.memory_space<semaphore_mem>>
      %dma_start3A = arith.constant 0 : i32
      %dma_start3A_71 = tpu.memref_slice %arg15[%add3A_19, %dma_start3A] : memref<100352x16xf32, #tpu.memory_space<vmem_shared>> -> memref<784x16xf32, #tpu.memory_space<vmem_shared>>
      %dma_start3A_72 = arith.constant 0 : i32
      %dma_start3A_73 = tpu.memref_slice %arg15[%add3A_19, %dma_start3A_72] : memref<100352x16xf32, #tpu.memory_space<vmem_shared>> -> memref<784x16xf32, #tpu.memory_space<vmem_shared>>
      tpu.enqueue_dma source(%arg14 : memref<784x16xf32, #tpu.memory_space<vmem>>) target(%dma_start3A_73 : memref<784x16xf32, #tpu.memory_space<vmem_shared>>) target_semaphore(%run_scoped3A : memref<!tpu.dma_semaphore, #tpu.memory_space<semaphore_mem>>)
      %dma_wait3A = arith.constant 0 : i32
      %dma_wait3A_74 = tpu.memref_slice %arg15[%add3A_19, %dma_wait3A] : memref<100352x16xf32, #tpu.memory_space<vmem_shared>> -> memref<784x16xf32, #tpu.memory_space<vmem_shared>>
      %dma_wait3A_75 = arith.constant 0 : i32
      %dma_wait3A_76 = tpu.memref_slice %arg15[%add3A_19, %dma_wait3A_75] : memref<100352x16xf32, #tpu.memory_space<vmem_shared>> -> memref<784x16xf32, #tpu.memory_space<vmem_shared>>
      tpu.wait_dma2 semaphore(%run_scoped3A : memref<!tpu.dma_semaphore, #tpu.memory_space<semaphore_mem>>) src(%arg14 : memref<784x16xf32, #tpu.memory_space<vmem>>) dst(%dma_wait3A_76 : memref<784x16xf32, #tpu.memory_space<vmem_shared>>)
      tpu.yield
    }) : () -> ()
    %add3A_20 = arith.constant 5488 : i32
    %add3A_21 = arith.addi %mul3A_6, %add3A_20 : i32
    "tpu.region"() ({
      %run_scoped3A = tpu.sem_alloc : memref<!tpu.dma_semaphore, #tpu.memory_space<semaphore_mem>>
      %dma_start3A = arith.constant 0 : i32
      %dma_start3A_71 = tpu.memref_slice %arg15[%add3A_21, %dma_start3A] : memref<100352x16xf32, #tpu.memory_space<vmem_shared>> -> memref<784x16xf32, #tpu.memory_space<vmem_shared>>
      %dma_start3A_72 = arith.constant 0 : i32
      %dma_start3A_73 = tpu.memref_slice %arg15[%add3A_21, %dma_start3A_72] : memref<100352x16xf32, #tpu.memory_space<vmem_shared>> -> memref<784x16xf32, #tpu.memory_space<vmem_shared>>
      tpu.enqueue_dma source(%arg14 : memref<784x16xf32, #tpu.memory_space<vmem>>) target(%dma_start3A_73 : memref<784x16xf32, #tpu.memory_space<vmem_shared>>) target_semaphore(%run_scoped3A : memref<!tpu.dma_semaphore, #tpu.memory_space<semaphore_mem>>)
      %dma_wait3A = arith.constant 0 : i32
      %dma_wait3A_74 = tpu.memref_slice %arg15[%add3A_21, %dma_wait3A] : memref<100352x16xf32, #tpu.memory_space<vmem_shared>> -> memref<784x16xf32, #tpu.memory_space<vmem_shared>>
      %dma_wait3A_75 = arith.constant 0 : i32
      %dma_wait3A_76 = tpu.memref_slice %arg15[%add3A_21, %dma_wait3A_75] : memref<100352x16xf32, #tpu.memory_space<vmem_shared>> -> memref<784x16xf32, #tpu.memory_space<vmem_shared>>
      tpu.wait_dma2 semaphore(%run_scoped3A : memref<!tpu.dma_semaphore, #tpu.memory_space<semaphore_mem>>) src(%arg14 : memref<784x16xf32, #tpu.memory_space<vmem>>) dst(%dma_wait3A_76 : memref<784x16xf32, #tpu.memory_space<vmem_shared>>)
      tpu.yield
    }) : () -> ()
    %barrier3A = arith.constant 0 : index
    tpu.barrier barrier_id(%barrier3A)
    %mul3A_22 = arith.constant 100352 : i32
    %mul3A_23 = arith.muli %arg0, %mul3A_22 : i32
    %broadcast_in_dim3A_24 = vector.broadcast %mul3A_23 : i32 to vector<16xi32>
    %mul3A_25 = arith.constant 100096 : i32
    %mul3A_26 = arith.muli %arg1, %mul3A_25 : i32
    %scan3A_27 = arith.constant 0 : i32
    %scan3A_28 = arith.constant 0 : i32
    %scan3A_29 = arith.constant 782 : i32
    %scan3A_30 = arith.addi %scan3A_28, %scan3A_29 : i32
    %scan3A_31 = arith.constant 1 : i32
    scf.for %scan3A_71 = %scan3A_28 to %scan3A_30 step %scan3A_31  : i32 {
      %mul3A_72 = arith.constant 128 : i32
      %mul3A_73 = arith.muli %scan3A_71, %mul3A_72 : i32
      %add3A_74 = arith.addi %mul3A_26, %mul3A_73 : i32
      "tpu.region"() ({
        %run_scoped3A = tpu.sem_alloc : memref<!tpu.dma_semaphore, #tpu.memory_space<semaphore_mem>>
        %dma_start3A_217 = tpu.memref_slice %arg3[%add3A_74] : memref<1601536xi32, #tpu.memory_space<hbm>> -> memref<128xi32, #tpu.memory_space<hbm>>
        %dma_start3A_218 = tpu.memref_slice %arg3[%add3A_74] : memref<1601536xi32, #tpu.memory_space<hbm>> -> memref<128xi32, #tpu.memory_space<hbm>>
        tpu.enqueue_dma source(%dma_start3A_218 : memref<128xi32, #tpu.memory_space<hbm>>) target(%arg6 : memref<128xi32, #tpu.memory_space<vmem>>) target_semaphore(%run_scoped3A : memref<!tpu.dma_semaphore, #tpu.memory_space<semaphore_mem>>)
        %dma_wait3A_219 = tpu.memref_slice %arg3[%add3A_74] : memref<1601536xi32, #tpu.memory_space<hbm>> -> memref<128xi32, #tpu.memory_space<hbm>>
        %dma_wait3A_220 = tpu.memref_slice %arg3[%add3A_74] : memref<1601536xi32, #tpu.memory_space<hbm>> -> memref<128xi32, #tpu.memory_space<hbm>>
        tpu.wait_dma2 semaphore(%run_scoped3A : memref<!tpu.dma_semaphore, #tpu.memory_space<semaphore_mem>>) src(%dma_wait3A_220 : memref<128xi32, #tpu.memory_space<hbm>>) dst(%arg6 : memref<128xi32, #tpu.memory_space<vmem>>)
        tpu.yield
      }) : () -> ()
      "tpu.region"() ({
        %run_scoped3A = tpu.sem_alloc : memref<!tpu.dma_semaphore, #tpu.memory_space<semaphore_mem>>
        %dma_start3A_217 = tpu.memref_slice %arg4[%add3A_74] : memref<1601536xi32, #tpu.memory_space<hbm>> -> memref<128xi32, #tpu.memory_space<hbm>>
        %dma_start3A_218 = tpu.memref_slice %arg4[%add3A_74] : memref<1601536xi32, #tpu.memory_space<hbm>> -> memref<128xi32, #tpu.memory_space<hbm>>
        tpu.enqueue_dma source(%dma_start3A_218 : memref<128xi32, #tpu.memory_space<hbm>>) target(%arg7 : memref<128xi32, #tpu.memory_space<vmem>>) target_semaphore(%run_scoped3A : memref<!tpu.dma_semaphore, #tpu.memory_space<semaphore_mem>>)
        %dma_wait3A_219 = tpu.memref_slice %arg4[%add3A_74] : memref<1601536xi32, #tpu.memory_space<hbm>> -> memref<128xi32, #tpu.memory_space<hbm>>
        %dma_wait3A_220 = tpu.memref_slice %arg4[%add3A_74] : memref<1601536xi32, #tpu.memory_space<hbm>> -> memref<128xi32, #tpu.memory_space<hbm>>
        tpu.wait_dma2 semaphore(%run_scoped3A : memref<!tpu.dma_semaphore, #tpu.memory_space<semaphore_mem>>) src(%dma_wait3A_220 : memref<128xi32, #tpu.memory_space<hbm>>) dst(%arg7 : memref<128xi32, #tpu.memory_space<vmem>>)
        tpu.yield
      }) : () -> ()
      %get3A = arith.constant 0 : index
      %get3A_75 = tpu.vector_load %arg6[%get3A] {strides = array<i32>} : memref<128xi32, #tpu.memory_space<vmem>>, vector<16xi32>,
      %get3A_76 = vector.shape_cast %get3A_75 : vector<16xi32> to vector<16xi32>
      %add3A_77 = arith.addi %get3A_76, %broadcast_in_dim3A_24 : vector<16xi32>
      %swap3A = arith.constant 0 : index
      %swap3A_78 = tpu.vector_load %arg8[%swap3A] {strides = array<i32>} : memref<128xi32, #tpu.memory_space<vmem>>, vector<16xi32>,
      %swap3A_79 = vector.shape_cast %swap3A_78 : vector<16xi32> to vector<16xi32>
      %swap3A_80 = vector.shape_cast %add3A_77 : vector<16xi32> to vector<16xi32>
      tpu.vector_store %arg8[%swap3A], %swap3A_80 {strides = array<i32>} : memref<128xi32, #tpu.memory_space<vmem>>, vector<16xi32>,
      %get3A_81 = arith.constant 0 : index
      %get3A_82 = tpu.vector_load %arg7[%get3A_81] {strides = array<i32>} : memref<128xi32, #tpu.memory_space<vmem>>, vector<16xi32>,
      %get3A_83 = vector.shape_cast %get3A_82 : vector<16xi32> to vector<16xi32>
      %add3A_84 = arith.addi %get3A_83, %broadcast_in_dim3A_24 : vector<16xi32>
      %swap3A_85 = arith.constant 0 : index
      %swap3A_86 = tpu.vector_load %arg9[%swap3A_85] {strides = array<i32>} : memref<128xi32, #tpu.memory_space<vmem>>, vector<16xi32>,
      %swap3A_87 = vector.shape_cast %swap3A_86 : vector<16xi32> to vector<16xi32>
      %swap3A_88 = vector.shape_cast %add3A_84 : vector<16xi32> to vector<16xi32>
      tpu.vector_store %arg9[%swap3A_85], %swap3A_88 {strides = array<i32>} : memref<128xi32, #tpu.memory_space<vmem>>, vector<16xi32>,
      %get3A_89 = arith.constant 16 : index
      %get3A_90 = tpu.vector_load %arg6[%get3A_89] {strides = array<i32>} : memref<128xi32, #tpu.memory_space<vmem>>, vector<16xi32>,
      %get3A_91 = vector.shape_cast %get3A_90 : vector<16xi32> to vector<16xi32>
      %add3A_92 = arith.addi %get3A_91, %broadcast_in_dim3A_24 : vector<16xi32>
      %swap3A_93 = arith.constant 16 : index
      %swap3A_94 = tpu.vector_load %arg8[%swap3A_93] {strides = array<i32>} : memref<128xi32, #tpu.memory_space<vmem>>, vector<16xi32>,
      %swap3A_95 = vector.shape_cast %swap3A_94 : vector<16xi32> to vector<16xi32>
      %swap3A_96 = vector.shape_cast %add3A_92 : vector<16xi32> to vector<16xi32>
      tpu.vector_store %arg8[%swap3A_93], %swap3A_96 {strides = array<i32>} : memref<128xi32, #tpu.memory_space<vmem>>, vector<16xi32>,
      %get3A_97 = arith.constant 16 : index
      %get3A_98 = tpu.vector_load %arg7[%get3A_97] {strides = array<i32>} : memref<128xi32, #tpu.memory_space<vmem>>, vector<16xi32>,
      %get3A_99 = vector.shape_cast %get3A_98 : vector<16xi32> to vector<16xi32>
      %add3A_100 = arith.addi %get3A_99, %broadcast_in_dim3A_24 : vector<16xi32>
      %swap3A_101 = arith.constant 16 : index
      %swap3A_102 = tpu.vector_load %arg9[%swap3A_101] {strides = array<i32>} : memref<128xi32, #tpu.memory_space<vmem>>, vector<16xi32>,
      %swap3A_103 = vector.shape_cast %swap3A_102 : vector<16xi32> to vector<16xi32>
      %swap3A_104 = vector.shape_cast %add3A_100 : vector<16xi32> to vector<16xi32>
      tpu.vector_store %arg9[%swap3A_101], %swap3A_104 {strides = array<i32>} : memref<128xi32, #tpu.memory_space<vmem>>, vector<16xi32>,
      %get3A_105 = arith.constant 32 : index
      %get3A_106 = tpu.vector_load %arg6[%get3A_105] {strides = array<i32>} : memref<128xi32, #tpu.memory_space<vmem>>, vector<16xi32>,
      %get3A_107 = vector.shape_cast %get3A_106 : vector<16xi32> to vector<16xi32>
      %add3A_108 = arith.addi %get3A_107, %broadcast_in_dim3A_24 : vector<16xi32>
      %swap3A_109 = arith.constant 32 : index
      %swap3A_110 = tpu.vector_load %arg8[%swap3A_109] {strides = array<i32>} : memref<128xi32, #tpu.memory_space<vmem>>, vector<16xi32>,
      %swap3A_111 = vector.shape_cast %swap3A_110 : vector<16xi32> to vector<16xi32>
      %swap3A_112 = vector.shape_cast %add3A_108 : vector<16xi32> to vector<16xi32>
      tpu.vector_store %arg8[%swap3A_109], %swap3A_112 {strides = array<i32>} : memref<128xi32, #tpu.memory_space<vmem>>, vector<16xi32>,
      %get3A_113 = arith.constant 32 : index
      %get3A_114 = tpu.vector_load %arg7[%get3A_113] {strides = array<i32>} : memref<128xi32, #tpu.memory_space<vmem>>, vector<16xi32>,
      %get3A_115 = vector.shape_cast %get3A_114 : vector<16xi32> to vector<16xi32>
      %add3A_116 = arith.addi %get3A_115, %broadcast_in_dim3A_24 : vector<16xi32>
      %swap3A_117 = arith.constant 32 : index
      %swap3A_118 = tpu.vector_load %arg9[%swap3A_117] {strides = array<i32>} : memref<128xi32, #tpu.memory_space<vmem>>, vector<16xi32>,
      %swap3A_119 = vector.shape_cast %swap3A_118 : vector<16xi32> to vector<16xi32>
      %swap3A_120 = vector.shape_cast %add3A_116 : vector<16xi32> to vector<16xi32>
      tpu.vector_store %arg9[%swap3A_117], %swap3A_120 {strides = array<i32>} : memref<128xi32, #tpu.memory_space<vmem>>, vector<16xi32>,
      %get3A_121 = arith.constant 48 : index
      %get3A_122 = tpu.vector_load %arg6[%get3A_121] {strides = array<i32>} : memref<128xi32, #tpu.memory_space<vmem>>, vector<16xi32>,
      %get3A_123 = vector.shape_cast %get3A_122 : vector<16xi32> to vector<16xi32>
      %add3A_124 = arith.addi %get3A_123, %broadcast_in_dim3A_24 : vector<16xi32>
      %swap3A_125 = arith.constant 48 : index
      %swap3A_126 = tpu.vector_load %arg8[%swap3A_125] {strides = array<i32>} : memref<128xi32, #tpu.memory_space<vmem>>, vector<16xi32>,
      %swap3A_127 = vector.shape_cast %swap3A_126 : vector<16xi32> to vector<16xi32>
      %swap3A_128 = vector.shape_cast %add3A_124 : vector<16xi32> to vector<16xi32>
      tpu.vector_store %arg8[%swap3A_125], %swap3A_128 {strides = array<i32>} : memref<128xi32, #tpu.memory_space<vmem>>, vector<16xi32>,
      %get3A_129 = arith.constant 48 : index
      %get3A_130 = tpu.vector_load %arg7[%get3A_129] {strides = array<i32>} : memref<128xi32, #tpu.memory_space<vmem>>, vector<16xi32>,
      %get3A_131 = vector.shape_cast %get3A_130 : vector<16xi32> to vector<16xi32>
      %add3A_132 = arith.addi %get3A_131, %broadcast_in_dim3A_24 : vector<16xi32>
      %swap3A_133 = arith.constant 48 : index
      %swap3A_134 = tpu.vector_load %arg9[%swap3A_133] {strides = array<i32>} : memref<128xi32, #tpu.memory_space<vmem>>, vector<16xi32>,
      %swap3A_135 = vector.shape_cast %swap3A_134 : vector<16xi32> to vector<16xi32>
      %swap3A_136 = vector.shape_cast %add3A_132 : vector<16xi32> to vector<16xi32>
      tpu.vector_store %arg9[%swap3A_133], %swap3A_136 {strides = array<i32>} : memref<128xi32, #tpu.memory_space<vmem>>, vector<16xi32>,
      %get3A_137 = arith.constant 64 : index
      %get3A_138 = tpu.vector_load %arg6[%get3A_137] {strides = array<i32>} : memref<128xi32, #tpu.memory_space<vmem>>, vector<16xi32>,
      %get3A_139 = vector.shape_cast %get3A_138 : vector<16xi32> to vector<16xi32>
      %add3A_140 = arith.addi %get3A_139, %broadcast_in_dim3A_24 : vector<16xi32>
      %swap3A_141 = arith.constant 64 : index
      %swap3A_142 = tpu.vector_load %arg8[%swap3A_141] {strides = array<i32>} : memref<128xi32, #tpu.memory_space<vmem>>, vector<16xi32>,
      %swap3A_143 = vector.shape_cast %swap3A_142 : vector<16xi32> to vector<16xi32>
      %swap3A_144 = vector.shape_cast %add3A_140 : vector<16xi32> to vector<16xi32>
      tpu.vector_store %arg8[%swap3A_141], %swap3A_144 {strides = array<i32>} : memref<128xi32, #tpu.memory_space<vmem>>, vector<16xi32>,
      %get3A_145 = arith.constant 64 : index
      %get3A_146 = tpu.vector_load %arg7[%get3A_145] {strides = array<i32>} : memref<128xi32, #tpu.memory_space<vmem>>, vector<16xi32>,
      %get3A_147 = vector.shape_cast %get3A_146 : vector<16xi32> to vector<16xi32>
      %add3A_148 = arith.addi %get3A_147, %broadcast_in_dim3A_24 : vector<16xi32>
      %swap3A_149 = arith.constant 64 : index
      %swap3A_150 = tpu.vector_load %arg9[%swap3A_149] {strides = array<i32>} : memref<128xi32, #tpu.memory_space<vmem>>, vector<16xi32>,
      %swap3A_151 = vector.shape_cast %swap3A_150 : vector<16xi32> to vector<16xi32>
      %swap3A_152 = vector.shape_cast %add3A_148 : vector<16xi32> to vector<16xi32>
      tpu.vector_store %arg9[%swap3A_149], %swap3A_152 {strides = array<i32>} : memref<128xi32, #tpu.memory_space<vmem>>, vector<16xi32>,
      %get3A_153 = arith.constant 80 : index
      %get3A_154 = tpu.vector_load %arg6[%get3A_153] {strides = array<i32>} : memref<128xi32, #tpu.memory_space<vmem>>, vector<16xi32>,
      %get3A_155 = vector.shape_cast %get3A_154 : vector<16xi32> to vector<16xi32>
      %add3A_156 = arith.addi %get3A_155, %broadcast_in_dim3A_24 : vector<16xi32>
      %swap3A_157 = arith.constant 80 : index
      %swap3A_158 = tpu.vector_load %arg8[%swap3A_157] {strides = array<i32>} : memref<128xi32, #tpu.memory_space<vmem>>, vector<16xi32>,
      %swap3A_159 = vector.shape_cast %swap3A_158 : vector<16xi32> to vector<16xi32>
      %swap3A_160 = vector.shape_cast %add3A_156 : vector<16xi32> to vector<16xi32>
      tpu.vector_store %arg8[%swap3A_157], %swap3A_160 {strides = array<i32>} : memref<128xi32, #tpu.memory_space<vmem>>, vector<16xi32>,
      %get3A_161 = arith.constant 80 : index
      %get3A_162 = tpu.vector_load %arg7[%get3A_161] {strides = array<i32>} : memref<128xi32, #tpu.memory_space<vmem>>, vector<16xi32>,
      %get3A_163 = vector.shape_cast %get3A_162 : vector<16xi32> to vector<16xi32>
      %add3A_164 = arith.addi %get3A_163, %broadcast_in_dim3A_24 : vector<16xi32>
      %swap3A_165 = arith.constant 80 : index
      %swap3A_166 = tpu.vector_load %arg9[%swap3A_165] {strides = array<i32>} : memref<128xi32, #tpu.memory_space<vmem>>, vector<16xi32>,
      %swap3A_167 = vector.shape_cast %swap3A_166 : vector<16xi32> to vector<16xi32>
      %swap3A_168 = vector.shape_cast %add3A_164 : vector<16xi32> to vector<16xi32>
      tpu.vector_store %arg9[%swap3A_165], %swap3A_168 {strides = array<i32>} : memref<128xi32, #tpu.memory_space<vmem>>, vector<16xi32>,
      %get3A_169 = arith.constant 96 : index
      %get3A_170 = tpu.vector_load %arg6[%get3A_169] {strides = array<i32>} : memref<128xi32, #tpu.memory_space<vmem>>, vector<16xi32>,
      %get3A_171 = vector.shape_cast %get3A_170 : vector<16xi32> to vector<16xi32>
      %add3A_172 = arith.addi %get3A_171, %broadcast_in_dim3A_24 : vector<16xi32>
      %swap3A_173 = arith.constant 96 : index
      %swap3A_174 = tpu.vector_load %arg8[%swap3A_173] {strides = array<i32>} : memref<128xi32, #tpu.memory_space<vmem>>, vector<16xi32>,
      %swap3A_175 = vector.shape_cast %swap3A_174 : vector<16xi32> to vector<16xi32>
      %swap3A_176 = vector.shape_cast %add3A_172 : vector<16xi32> to vector<16xi32>
      tpu.vector_store %arg8[%swap3A_173], %swap3A_176 {strides = array<i32>} : memref<128xi32, #tpu.memory_space<vmem>>, vector<16xi32>,
      %get3A_177 = arith.constant 96 : index
      %get3A_178 = tpu.vector_load %arg7[%get3A_177] {strides = array<i32>} : memref<128xi32, #tpu.memory_space<vmem>>, vector<16xi32>,
      %get3A_179 = vector.shape_cast %get3A_178 : vector<16xi32> to vector<16xi32>
      %add3A_180 = arith.addi %get3A_179, %broadcast_in_dim3A_24 : vector<16xi32>
      %swap3A_181 = arith.constant 96 : index
      %swap3A_182 = tpu.vector_load %arg9[%swap3A_181] {strides = array<i32>} : memref<128xi32, #tpu.memory_space<vmem>>, vector<16xi32>,
      %swap3A_183 = vector.shape_cast %swap3A_182 : vector<16xi32> to vector<16xi32>
      %swap3A_184 = vector.shape_cast %add3A_180 : vector<16xi32> to vector<16xi32>
      tpu.vector_store %arg9[%swap3A_181], %swap3A_184 {strides = array<i32>} : memref<128xi32, #tpu.memory_space<vmem>>, vector<16xi32>,
      %get3A_185 = arith.constant 112 : index
      %get3A_186 = tpu.vector_load %arg6[%get3A_185] {strides = array<i32>} : memref<128xi32, #tpu.memory_space<vmem>>, vector<16xi32>,
      %get3A_187 = vector.shape_cast %get3A_186 : vector<16xi32> to vector<16xi32>
      %add3A_188 = arith.addi %get3A_187, %broadcast_in_dim3A_24 : vector<16xi32>
      %swap3A_189 = arith.constant 112 : index
      %swap3A_190 = tpu.vector_load %arg8[%swap3A_189] {strides = array<i32>} : memref<128xi32, #tpu.memory_space<vmem>>, vector<16xi32>,
      %swap3A_191 = vector.shape_cast %swap3A_190 : vector<16xi32> to vector<16xi32>
      %swap3A_192 = vector.shape_cast %add3A_188 : vector<16xi32> to vector<16xi32>
      tpu.vector_store %arg8[%swap3A_189], %swap3A_192 {strides = array<i32>} : memref<128xi32, #tpu.memory_space<vmem>>, vector<16xi32>,
      %get3A_193 = arith.constant 112 : index
      %get3A_194 = tpu.vector_load %arg7[%get3A_193] {strides = array<i32>} : memref<128xi32, #tpu.memory_space<vmem>>, vector<16xi32>,
      %get3A_195 = vector.shape_cast %get3A_194 : vector<16xi32> to vector<16xi32>
      %add3A_196 = arith.addi %get3A_195, %broadcast_in_dim3A_24 : vector<16xi32>
      %swap3A_197 = arith.constant 112 : index
      %swap3A_198 = tpu.vector_load %arg9[%swap3A_197] {strides = array<i32>} : memref<128xi32, #tpu.memory_space<vmem>>, vector<16xi32>,
      %swap3A_199 = vector.shape_cast %swap3A_198 : vector<16xi32> to vector<16xi32>
      %swap3A_200 = vector.shape_cast %add3A_196 : vector<16xi32> to vector<16xi32>
      tpu.vector_store %arg9[%swap3A_197], %swap3A_200 {strides = array<i32>} : memref<128xi32, #tpu.memory_space<vmem>>, vector<16xi32>,
      %dma_start3A = arith.constant 0 : i32
      %dma_start3A_201 = arith.constant 0 : i32
      %dma_start3A_202 = tpu.memref_slice %arg2[%dma_start3A, %dma_start3A_201] : memref<200704x16xf32, #tpu.memory_space<hbm>> -> memref<200704x16xf32, #tpu.memory_space<hbm>>
      tpu.enqueue_indirect_dma source(%dma_start3A_202 : memref<200704x16xf32, #tpu.memory_space<hbm>>) target(%arg10 : memref<128x16xf32, #tpu.memory_space<vmem>>) offsets(%arg8 : memref<128xi32, #tpu.memory_space<vmem>>) semaphore(%arg16 : memref<!tpu.dma_semaphore, #tpu.memory_space<semaphore_mem>>)
      %dma_start3A_203 = arith.constant 0 : i32
      %dma_start3A_204 = arith.constant 0 : i32
      %dma_start3A_205 = tpu.memref_slice %arg2[%dma_start3A_203, %dma_start3A_204] : memref<200704x16xf32, #tpu.memory_space<hbm>> -> memref<200704x16xf32, #tpu.memory_space<hbm>>
      tpu.enqueue_indirect_dma source(%dma_start3A_205 : memref<200704x16xf32, #tpu.memory_space<hbm>>) target(%arg11 : memref<128x16xf32, #tpu.memory_space<vmem>>) offsets(%arg9 : memref<128xi32, #tpu.memory_space<vmem>>) semaphore(%arg17 : memref<!tpu.dma_semaphore, #tpu.memory_space<semaphore_mem>>)
      %dma_wait3A = arith.constant 0 : i32
      %dma_wait3A_206 = arith.constant 0 : i32
      %dma_wait3A_207 = tpu.memref_slice %arg2[%dma_wait3A, %dma_wait3A_206] : memref<200704x16xf32, #tpu.memory_space<hbm>> -> memref<200704x16xf32, #tpu.memory_space<hbm>>
      tpu.wait_indirect_dma semaphore(%arg16 : memref<!tpu.dma_semaphore, #tpu.memory_space<semaphore_mem>>) src(%dma_wait3A_207 : memref<200704x16xf32, #tpu.memory_space<hbm>>) dst(%arg10 : memref<128x16xf32, #tpu.memory_space<vmem>>)
      %dma_wait3A_208 = arith.constant 0 : i32
      %dma_wait3A_209 = arith.constant 0 : i32
      %dma_wait3A_210 = tpu.memref_slice %arg2[%dma_wait3A_208, %dma_wait3A_209] : memref<200704x16xf32, #tpu.memory_space<hbm>> -> memref<200704x16xf32, #tpu.memory_space<hbm>>
      tpu.wait_indirect_dma semaphore(%arg17 : memref<!tpu.dma_semaphore, #tpu.memory_space<semaphore_mem>>) src(%dma_wait3A_210 : memref<200704x16xf32, #tpu.memory_space<hbm>>) dst(%arg11 : memref<128x16xf32, #tpu.memory_space<vmem>>)
      %scan3A_211 = arith.constant 0 : i32
      %scan3A_212 = arith.constant 0 : i32
      %scan3A_213 = arith.constant 128 : i32
      %scan3A_214 = arith.addi %scan3A_212, %scan3A_213 : i32
      %scan3A_215 = arith.constant 1 : i32
      scf.for %scan3A_217 = %scan3A_212 to %scan3A_214 step %scan3A_215  : i32 {
        %get3A_218 = arith.index_cast %scan3A_217 : i32 to index
        %get3A_219 = arith.constant 0 : index
        %get3A_220 = tpu.vector_load %arg10[%get3A_218, %get3A_219] {strides = array<i32>} : memref<128x16xf32, #tpu.memory_space<vmem>>, vector<1x16xf32>,
        %get3A_221 = vector.shape_cast %get3A_220 : vector<1x16xf32> to vector<16xf32>
        %get3A_222 = arith.index_cast %scan3A_217 : i32 to index
        %get3A_223 = arith.constant 0 : index
        %get3A_224 = tpu.vector_load %arg11[%get3A_222, %get3A_223] {strides = array<i32>} : memref<128x16xf32, #tpu.memory_space<vmem>>, vector<1x16xf32>,
        %get3A_225 = vector.shape_cast %get3A_224 : vector<1x16xf32> to vector<16xf32>
        %sub3A = arith.subf %get3A_221, %get3A_225 : vector<16xf32>
        %swap3A_226 = arith.index_cast %scan3A_217 : i32 to index
        %swap3A_227 = arith.constant 0 : index
        %swap3A_228 = tpu.vector_load %arg12[%swap3A_226, %swap3A_227] {strides = array<i32>} : memref<128x16xf32, #tpu.memory_space<vmem>>, vector<1x16xf32>,
        %swap3A_229 = vector.shape_cast %swap3A_228 : vector<1x16xf32> to vector<16xf32>
        %swap3A_230 = vector.shape_cast %sub3A : vector<16xf32> to vector<1x16xf32>
        tpu.vector_store %arg12[%swap3A_226, %swap3A_227], %swap3A_230 {strides = array<i32>} : memref<128x16xf32, #tpu.memory_space<vmem>>, vector<1x16xf32>,
        %sub3A_231 = arith.subf %get3A_225, %get3A_221 : vector<16xf32>
        %swap3A_232 = arith.index_cast %scan3A_217 : i32 to index
        %swap3A_233 = arith.constant 0 : index
        %swap3A_234 = tpu.vector_load %arg13[%swap3A_232, %swap3A_233] {strides = array<i32>} : memref<128x16xf32, #tpu.memory_space<vmem>>, vector<1x16xf32>,
        %swap3A_235 = vector.shape_cast %swap3A_234 : vector<1x16xf32> to vector<16xf32>
        %swap3A_236 = vector.shape_cast %sub3A_231 : vector<16xf32> to vector<1x16xf32>
        tpu.vector_store %arg13[%swap3A_232, %swap3A_233], %swap3A_236 {strides = array<i32>} : memref<128x16xf32, #tpu.memory_space<vmem>>, vector<1x16xf32>,
      }
      %scan3A_216 = arith.constant 128 : i32
      "tpu.region"() ({
        %run_scoped3A = tpu.sem_alloc : memref<!tpu.dma_semaphore, #tpu.memory_space<semaphore_mem>>
        %dma_start3A_217 = arith.constant 0 : i32
        %dma_start3A_218 = arith.constant 0 : i32
        %dma_start3A_219 = tpu.memref_slice %arg15[%dma_start3A_217, %dma_start3A_218] : memref<100352x16xf32, #tpu.memory_space<vmem_shared>> -> memref<100352x16xf32, #tpu.memory_space<vmem_shared>>
        tpu.enqueue_indirect_dma source(%arg12 : memref<128x16xf32, #tpu.memory_space<vmem>>) target(%dma_start3A_219 : memref<100352x16xf32, #tpu.memory_space<vmem_shared>>) offsets(%arg6 : memref<128xi32, #tpu.memory_space<vmem>>) semaphore(%run_scoped3A : memref<!tpu.dma_semaphore, #tpu.memory_space<semaphore_mem>>) {add = true}
        %dma_wait3A_220 = arith.constant 0 : i32
        %dma_wait3A_221 = arith.constant 0 : i32
        %dma_wait3A_222 = tpu.memref_slice %arg15[%dma_wait3A_220, %dma_wait3A_221] : memref<100352x16xf32, #tpu.memory_space<vmem_shared>> -> memref<100352x16xf32, #tpu.memory_space<vmem_shared>>
        tpu.wait_indirect_dma semaphore(%run_scoped3A : memref<!tpu.dma_semaphore, #tpu.memory_space<semaphore_mem>>) src(%arg12 : memref<128x16xf32, #tpu.memory_space<vmem>>) dst(%dma_wait3A_222 : memref<100352x16xf32, #tpu.memory_space<vmem_shared>>)
        tpu.yield
      }) : () -> ()
      "tpu.region"() ({
        %run_scoped3A = tpu.sem_alloc : memref<!tpu.dma_semaphore, #tpu.memory_space<semaphore_mem>>
        %dma_start3A_217 = arith.constant 0 : i32
        %dma_start3A_218 = arith.constant 0 : i32
        %dma_start3A_219 = tpu.memref_slice %arg15[%dma_start3A_217, %dma_start3A_218] : memref<100352x16xf32, #tpu.memory_space<vmem_shared>> -> memref<100352x16xf32, #tpu.memory_space<vmem_shared>>
        tpu.enqueue_indirect_dma source(%arg13 : memref<128x16xf32, #tpu.memory_space<vmem>>) target(%dma_start3A_219 : memref<100352x16xf32, #tpu.memory_space<vmem_shared>>) offsets(%arg7 : memref<128xi32, #tpu.memory_space<vmem>>) semaphore(%run_scoped3A : memref<!tpu.dma_semaphore, #tpu.memory_space<semaphore_mem>>) {add = true}
        %dma_wait3A_220 = arith.constant 0 : i32
        %dma_wait3A_221 = arith.constant 0 : i32
        %dma_wait3A_222 = tpu.memref_slice %arg15[%dma_wait3A_220, %dma_wait3A_221] : memref<100352x16xf32, #tpu.memory_space<vmem_shared>> -> memref<100352x16xf32, #tpu.memory_space<vmem_shared>>
        tpu.wait_indirect_dma semaphore(%run_scoped3A : memref<!tpu.dma_semaphore, #tpu.memory_space<semaphore_mem>>) src(%arg13 : memref<128x16xf32, #tpu.memory_space<vmem>>) dst(%dma_wait3A_222 : memref<100352x16xf32, #tpu.memory_space<vmem_shared>>)
        tpu.yield
      }) : () -> ()
    }
    %scan3A_32 = arith.constant 782 : i32
    %barrier3A_33 = arith.constant 0 : index
    tpu.barrier barrier_id(%barrier3A_33)
    %mul3A_34 = arith.constant 100352 : i32
    %mul3A_35 = arith.muli %arg0, %mul3A_34 : i32
    %mul3A_36 = arith.constant 6272 : i32
    %mul3A_37 = arith.muli %arg1, %mul3A_36 : i32
    %add3A_38 = arith.addi %mul3A_35, %mul3A_37 : i32
    %add3A_39 = arith.constant 0 : i32
    %add3A_40 = arith.addi %mul3A_6, %add3A_39 : i32
    "tpu.region"() ({
      %run_scoped3A = tpu.sem_alloc : memref<!tpu.dma_semaphore, #tpu.memory_space<semaphore_mem>>
      %dma_start3A = arith.constant 0 : i32
      %dma_start3A_71 = tpu.memref_slice %arg15[%add3A_40, %dma_start3A] : memref<100352x16xf32, #tpu.memory_space<vmem_shared>> -> memref<784x16xf32, #tpu.memory_space<vmem_shared>>
      %dma_start3A_72 = arith.constant 0 : i32
      %dma_start3A_73 = tpu.memref_slice %arg15[%add3A_40, %dma_start3A_72] : memref<100352x16xf32, #tpu.memory_space<vmem_shared>> -> memref<784x16xf32, #tpu.memory_space<vmem_shared>>
      tpu.enqueue_dma source(%dma_start3A_73 : memref<784x16xf32, #tpu.memory_space<vmem_shared>>) target(%arg14 : memref<784x16xf32, #tpu.memory_space<vmem>>) target_semaphore(%run_scoped3A : memref<!tpu.dma_semaphore, #tpu.memory_space<semaphore_mem>>)
      %dma_wait3A = arith.constant 0 : i32
      %dma_wait3A_74 = tpu.memref_slice %arg15[%add3A_40, %dma_wait3A] : memref<100352x16xf32, #tpu.memory_space<vmem_shared>> -> memref<784x16xf32, #tpu.memory_space<vmem_shared>>
      %dma_wait3A_75 = arith.constant 0 : i32
      %dma_wait3A_76 = tpu.memref_slice %arg15[%add3A_40, %dma_wait3A_75] : memref<100352x16xf32, #tpu.memory_space<vmem_shared>> -> memref<784x16xf32, #tpu.memory_space<vmem_shared>>
      tpu.wait_dma2 semaphore(%run_scoped3A : memref<!tpu.dma_semaphore, #tpu.memory_space<semaphore_mem>>) src(%dma_wait3A_76 : memref<784x16xf32, #tpu.memory_space<vmem_shared>>) dst(%arg14 : memref<784x16xf32, #tpu.memory_space<vmem>>)
      tpu.yield
    }) : () -> ()
    %add3A_41 = arith.constant 0 : i32
    %add3A_42 = arith.addi %add3A_38, %add3A_41 : i32
    "tpu.region"() ({
      %run_scoped3A = tpu.sem_alloc : memref<!tpu.dma_semaphore, #tpu.memory_space<semaphore_mem>>
      %dma_start3A = arith.constant 0 : i32
      %dma_start3A_71 = tpu.memref_slice %arg5[%add3A_42, %dma_start3A] : memref<200704x16xf32, #tpu.memory_space<hbm>> -> memref<784x16xf32, #tpu.memory_space<hbm>>
      %dma_start3A_72 = arith.constant 0 : i32
      %dma_start3A_73 = tpu.memref_slice %arg5[%add3A_42, %dma_start3A_72] : memref<200704x16xf32, #tpu.memory_space<hbm>> -> memref<784x16xf32, #tpu.memory_space<hbm>>
      tpu.enqueue_dma source(%arg14 : memref<784x16xf32, #tpu.memory_space<vmem>>) target(%dma_start3A_73 : memref<784x16xf32, #tpu.memory_space<hbm>>) target_semaphore(%run_scoped3A : memref<!tpu.dma_semaphore, #tpu.memory_space<semaphore_mem>>)
      %dma_wait3A = arith.constant 0 : i32
      %dma_wait3A_74 = tpu.memref_slice %arg5[%add3A_42, %dma_wait3A] : memref<200704x16xf32, #tpu.memory_space<hbm>> -> memref<784x16xf32, #tpu.memory_space<hbm>>
      %dma_wait3A_75 = arith.constant 0 : i32
      %dma_wait3A_76 = tpu.memref_slice %arg5[%add3A_42, %dma_wait3A_75] : memref<200704x16xf32, #tpu.memory_space<hbm>> -> memref<784x16xf32, #tpu.memory_space<hbm>>
      tpu.wait_dma2 semaphore(%run_scoped3A : memref<!tpu.dma_semaphore, #tpu.memory_space<semaphore_mem>>) src(%arg14 : memref<784x16xf32, #tpu.memory_space<vmem>>) dst(%dma_wait3A_76 : memref<784x16xf32, #tpu.memory_space<hbm>>)
      tpu.yield
    }) : () -> ()
    %add3A_43 = arith.constant 784 : i32
    %add3A_44 = arith.addi %mul3A_6, %add3A_43 : i32
    "tpu.region"() ({
      %run_scoped3A = tpu.sem_alloc : memref<!tpu.dma_semaphore, #tpu.memory_space<semaphore_mem>>
      %dma_start3A = arith.constant 0 : i32
      %dma_start3A_71 = tpu.memref_slice %arg15[%add3A_44, %dma_start3A] : memref<100352x16xf32, #tpu.memory_space<vmem_shared>> -> memref<784x16xf32, #tpu.memory_space<vmem_shared>>
      %dma_start3A_72 = arith.constant 0 : i32
      %dma_start3A_73 = tpu.memref_slice %arg15[%add3A_44, %dma_start3A_72] : memref<100352x16xf32, #tpu.memory_space<vmem_shared>> -> memref<784x16xf32, #tpu.memory_space<vmem_shared>>
      tpu.enqueue_dma source(%dma_start3A_73 : memref<784x16xf32, #tpu.memory_space<vmem_shared>>) target(%arg14 : memref<784x16xf32, #tpu.memory_space<vmem>>) target_semaphore(%run_scoped3A : memref<!tpu.dma_semaphore, #tpu.memory_space<semaphore_mem>>)
      %dma_wait3A = arith.constant 0 : i32
      %dma_wait3A_74 = tpu.memref_slice %arg15[%add3A_44, %dma_wait3A] : memref<100352x16xf32, #tpu.memory_space<vmem_shared>> -> memref<784x16xf32, #tpu.memory_space<vmem_shared>>
      %dma_wait3A_75 = arith.constant 0 : i32
      %dma_wait3A_76 = tpu.memref_slice %arg15[%add3A_44, %dma_wait3A_75] : memref<100352x16xf32, #tpu.memory_space<vmem_shared>> -> memref<784x16xf32, #tpu.memory_space<vmem_shared>>
      tpu.wait_dma2 semaphore(%run_scoped3A : memref<!tpu.dma_semaphore, #tpu.memory_space<semaphore_mem>>) src(%dma_wait3A_76 : memref<784x16xf32, #tpu.memory_space<vmem_shared>>) dst(%arg14 : memref<784x16xf32, #tpu.memory_space<vmem>>)
      tpu.yield
    }) : () -> ()
    %add3A_45 = arith.constant 784 : i32
    %add3A_46 = arith.addi %add3A_38, %add3A_45 : i32
    "tpu.region"() ({
      %run_scoped3A = tpu.sem_alloc : memref<!tpu.dma_semaphore, #tpu.memory_space<semaphore_mem>>
      %dma_start3A = arith.constant 0 : i32
      %dma_start3A_71 = tpu.memref_slice %arg5[%add3A_46, %dma_start3A] : memref<200704x16xf32, #tpu.memory_space<hbm>> -> memref<784x16xf32, #tpu.memory_space<hbm>>
      %dma_start3A_72 = arith.constant 0 : i32
      %dma_start3A_73 = tpu.memref_slice %arg5[%add3A_46, %dma_start3A_72] : memref<200704x16xf32, #tpu.memory_space<hbm>> -> memref<784x16xf32, #tpu.memory_space<hbm>>
      tpu.enqueue_dma source(%arg14 : memref<784x16xf32, #tpu.memory_space<vmem>>) target(%dma_start3A_73 : memref<784x16xf32, #tpu.memory_space<hbm>>) target_semaphore(%run_scoped3A : memref<!tpu.dma_semaphore, #tpu.memory_space<semaphore_mem>>)
      %dma_wait3A = arith.constant 0 : i32
      %dma_wait3A_74 = tpu.memref_slice %arg5[%add3A_46, %dma_wait3A] : memref<200704x16xf32, #tpu.memory_space<hbm>> -> memref<784x16xf32, #tpu.memory_space<hbm>>
      %dma_wait3A_75 = arith.constant 0 : i32
      %dma_wait3A_76 = tpu.memref_slice %arg5[%add3A_46, %dma_wait3A_75] : memref<200704x16xf32, #tpu.memory_space<hbm>> -> memref<784x16xf32, #tpu.memory_space<hbm>>
      tpu.wait_dma2 semaphore(%run_scoped3A : memref<!tpu.dma_semaphore, #tpu.memory_space<semaphore_mem>>) src(%arg14 : memref<784x16xf32, #tpu.memory_space<vmem>>) dst(%dma_wait3A_76 : memref<784x16xf32, #tpu.memory_space<hbm>>)
      tpu.yield
    }) : () -> ()
    %add3A_47 = arith.constant 1568 : i32
    %add3A_48 = arith.addi %mul3A_6, %add3A_47 : i32
    "tpu.region"() ({
      %run_scoped3A = tpu.sem_alloc : memref<!tpu.dma_semaphore, #tpu.memory_space<semaphore_mem>>
      %dma_start3A = arith.constant 0 : i32
      %dma_start3A_71 = tpu.memref_slice %arg15[%add3A_48, %dma_start3A] : memref<100352x16xf32, #tpu.memory_space<vmem_shared>> -> memref<784x16xf32, #tpu.memory_space<vmem_shared>>
      %dma_start3A_72 = arith.constant 0 : i32
      %dma_start3A_73 = tpu.memref_slice %arg15[%add3A_48, %dma_start3A_72] : memref<100352x16xf32, #tpu.memory_space<vmem_shared>> -> memref<784x16xf32, #tpu.memory_space<vmem_shared>>
      tpu.enqueue_dma source(%dma_start3A_73 : memref<784x16xf32, #tpu.memory_space<vmem_shared>>) target(%arg14 : memref<784x16xf32, #tpu.memory_space<vmem>>) target_semaphore(%run_scoped3A : memref<!tpu.dma_semaphore, #tpu.memory_space<semaphore_mem>>)
      %dma_wait3A = arith.constant 0 : i32
      %dma_wait3A_74 = tpu.memref_slice %arg15[%add3A_48, %dma_wait3A] : memref<100352x16xf32, #tpu.memory_space<vmem_shared>> -> memref<784x16xf32, #tpu.memory_space<vmem_shared>>
      %dma_wait3A_75 = arith.constant 0 : i32
      %dma_wait3A_76 = tpu.memref_slice %arg15[%add3A_48, %dma_wait3A_75] : memref<100352x16xf32, #tpu.memory_space<vmem_shared>> -> memref<784x16xf32, #tpu.memory_space<vmem_shared>>
      tpu.wait_dma2 semaphore(%run_scoped3A : memref<!tpu.dma_semaphore, #tpu.memory_space<semaphore_mem>>) src(%dma_wait3A_76 : memref<784x16xf32, #tpu.memory_space<vmem_shared>>) dst(%arg14 : memref<784x16xf32, #tpu.memory_space<vmem>>)
      tpu.yield
    }) : () -> ()
    %add3A_49 = arith.constant 1568 : i32
    %add3A_50 = arith.addi %add3A_38, %add3A_49 : i32
    "tpu.region"() ({
      %run_scoped3A = tpu.sem_alloc : memref<!tpu.dma_semaphore, #tpu.memory_space<semaphore_mem>>
      %dma_start3A = arith.constant 0 : i32
      %dma_start3A_71 = tpu.memref_slice %arg5[%add3A_50, %dma_start3A] : memref<200704x16xf32, #tpu.memory_space<hbm>> -> memref<784x16xf32, #tpu.memory_space<hbm>>
      %dma_start3A_72 = arith.constant 0 : i32
      %dma_start3A_73 = tpu.memref_slice %arg5[%add3A_50, %dma_start3A_72] : memref<200704x16xf32, #tpu.memory_space<hbm>> -> memref<784x16xf32, #tpu.memory_space<hbm>>
      tpu.enqueue_dma source(%arg14 : memref<784x16xf32, #tpu.memory_space<vmem>>) target(%dma_start3A_73 : memref<784x16xf32, #tpu.memory_space<hbm>>) target_semaphore(%run_scoped3A : memref<!tpu.dma_semaphore, #tpu.memory_space<semaphore_mem>>)
      %dma_wait3A = arith.constant 0 : i32
      %dma_wait3A_74 = tpu.memref_slice %arg5[%add3A_50, %dma_wait3A] : memref<200704x16xf32, #tpu.memory_space<hbm>> -> memref<784x16xf32, #tpu.memory_space<hbm>>
      %dma_wait3A_75 = arith.constant 0 : i32
      %dma_wait3A_76 = tpu.memref_slice %arg5[%add3A_50, %dma_wait3A_75] : memref<200704x16xf32, #tpu.memory_space<hbm>> -> memref<784x16xf32, #tpu.memory_space<hbm>>
      tpu.wait_dma2 semaphore(%run_scoped3A : memref<!tpu.dma_semaphore, #tpu.memory_space<semaphore_mem>>) src(%arg14 : memref<784x16xf32, #tpu.memory_space<vmem>>) dst(%dma_wait3A_76 : memref<784x16xf32, #tpu.memory_space<hbm>>)
      tpu.yield
    }) : () -> ()
    %add3A_51 = arith.constant 2352 : i32
    %add3A_52 = arith.addi %mul3A_6, %add3A_51 : i32
    "tpu.region"() ({
      %run_scoped3A = tpu.sem_alloc : memref<!tpu.dma_semaphore, #tpu.memory_space<semaphore_mem>>
      %dma_start3A = arith.constant 0 : i32
      %dma_start3A_71 = tpu.memref_slice %arg15[%add3A_52, %dma_start3A] : memref<100352x16xf32, #tpu.memory_space<vmem_shared>> -> memref<784x16xf32, #tpu.memory_space<vmem_shared>>
      %dma_start3A_72 = arith.constant 0 : i32
      %dma_start3A_73 = tpu.memref_slice %arg15[%add3A_52, %dma_start3A_72] : memref<100352x16xf32, #tpu.memory_space<vmem_shared>> -> memref<784x16xf32, #tpu.memory_space<vmem_shared>>
      tpu.enqueue_dma source(%dma_start3A_73 : memref<784x16xf32, #tpu.memory_space<vmem_shared>>) target(%arg14 : memref<784x16xf32, #tpu.memory_space<vmem>>) target_semaphore(%run_scoped3A : memref<!tpu.dma_semaphore, #tpu.memory_space<semaphore_mem>>)
      %dma_wait3A = arith.constant 0 : i32
      %dma_wait3A_74 = tpu.memref_slice %arg15[%add3A_52, %dma_wait3A] : memref<100352x16xf32, #tpu.memory_space<vmem_shared>> -> memref<784x16xf32, #tpu.memory_space<vmem_shared>>
      %dma_wait3A_75 = arith.constant 0 : i32
      %dma_wait3A_76 = tpu.memref_slice %arg15[%add3A_52, %dma_wait3A_75] : memref<100352x16xf32, #tpu.memory_space<vmem_shared>> -> memref<784x16xf32, #tpu.memory_space<vmem_shared>>
      tpu.wait_dma2 semaphore(%run_scoped3A : memref<!tpu.dma_semaphore, #tpu.memory_space<semaphore_mem>>) src(%dma_wait3A_76 : memref<784x16xf32, #tpu.memory_space<vmem_shared>>) dst(%arg14 : memref<784x16xf32, #tpu.memory_space<vmem>>)
      tpu.yield
    }) : () -> ()
    %add3A_53 = arith.constant 2352 : i32
    %add3A_54 = arith.addi %add3A_38, %add3A_53 : i32
    "tpu.region"() ({
      %run_scoped3A = tpu.sem_alloc : memref<!tpu.dma_semaphore, #tpu.memory_space<semaphore_mem>>
      %dma_start3A = arith.constant 0 : i32
      %dma_start3A_71 = tpu.memref_slice %arg5[%add3A_54, %dma_start3A] : memref<200704x16xf32, #tpu.memory_space<hbm>> -> memref<784x16xf32, #tpu.memory_space<hbm>>
      %dma_start3A_72 = arith.constant 0 : i32
      %dma_start3A_73 = tpu.memref_slice %arg5[%add3A_54, %dma_start3A_72] : memref<200704x16xf32, #tpu.memory_space<hbm>> -> memref<784x16xf32, #tpu.memory_space<hbm>>
      tpu.enqueue_dma source(%arg14 : memref<784x16xf32, #tpu.memory_space<vmem>>) target(%dma_start3A_73 : memref<784x16xf32, #tpu.memory_space<hbm>>) target_semaphore(%run_scoped3A : memref<!tpu.dma_semaphore, #tpu.memory_space<semaphore_mem>>)
      %dma_wait3A = arith.constant 0 : i32
      %dma_wait3A_74 = tpu.memref_slice %arg5[%add3A_54, %dma_wait3A] : memref<200704x16xf32, #tpu.memory_space<hbm>> -> memref<784x16xf32, #tpu.memory_space<hbm>>
      %dma_wait3A_75 = arith.constant 0 : i32
      %dma_wait3A_76 = tpu.memref_slice %arg5[%add3A_54, %dma_wait3A_75] : memref<200704x16xf32, #tpu.memory_space<hbm>> -> memref<784x16xf32, #tpu.memory_space<hbm>>
      tpu.wait_dma2 semaphore(%run_scoped3A : memref<!tpu.dma_semaphore, #tpu.memory_space<semaphore_mem>>) src(%arg14 : memref<784x16xf32, #tpu.memory_space<vmem>>) dst(%dma_wait3A_76 : memref<784x16xf32, #tpu.memory_space<hbm>>)
      tpu.yield
    }) : () -> ()
    %add3A_55 = arith.constant 3136 : i32
    %add3A_56 = arith.addi %mul3A_6, %add3A_55 : i32
    "tpu.region"() ({
      %run_scoped3A = tpu.sem_alloc : memref<!tpu.dma_semaphore, #tpu.memory_space<semaphore_mem>>
      %dma_start3A = arith.constant 0 : i32
      %dma_start3A_71 = tpu.memref_slice %arg15[%add3A_56, %dma_start3A] : memref<100352x16xf32, #tpu.memory_space<vmem_shared>> -> memref<784x16xf32, #tpu.memory_space<vmem_shared>>
      %dma_start3A_72 = arith.constant 0 : i32
      %dma_start3A_73 = tpu.memref_slice %arg15[%add3A_56, %dma_start3A_72] : memref<100352x16xf32, #tpu.memory_space<vmem_shared>> -> memref<784x16xf32, #tpu.memory_space<vmem_shared>>
      tpu.enqueue_dma source(%dma_start3A_73 : memref<784x16xf32, #tpu.memory_space<vmem_shared>>) target(%arg14 : memref<784x16xf32, #tpu.memory_space<vmem>>) target_semaphore(%run_scoped3A : memref<!tpu.dma_semaphore, #tpu.memory_space<semaphore_mem>>)
      %dma_wait3A = arith.constant 0 : i32
      %dma_wait3A_74 = tpu.memref_slice %arg15[%add3A_56, %dma_wait3A] : memref<100352x16xf32, #tpu.memory_space<vmem_shared>> -> memref<784x16xf32, #tpu.memory_space<vmem_shared>>
      %dma_wait3A_75 = arith.constant 0 : i32
      %dma_wait3A_76 = tpu.memref_slice %arg15[%add3A_56, %dma_wait3A_75] : memref<100352x16xf32, #tpu.memory_space<vmem_shared>> -> memref<784x16xf32, #tpu.memory_space<vmem_shared>>
      tpu.wait_dma2 semaphore(%run_scoped3A : memref<!tpu.dma_semaphore, #tpu.memory_space<semaphore_mem>>) src(%dma_wait3A_76 : memref<784x16xf32, #tpu.memory_space<vmem_shared>>) dst(%arg14 : memref<784x16xf32, #tpu.memory_space<vmem>>)
      tpu.yield
    }) : () -> ()
    %add3A_57 = arith.constant 3136 : i32
    %add3A_58 = arith.addi %add3A_38, %add3A_57 : i32
    "tpu.region"() ({
      %run_scoped3A = tpu.sem_alloc : memref<!tpu.dma_semaphore, #tpu.memory_space<semaphore_mem>>
      %dma_start3A = arith.constant 0 : i32
      %dma_start3A_71 = tpu.memref_slice %arg5[%add3A_58, %dma_start3A] : memref<200704x16xf32, #tpu.memory_space<hbm>> -> memref<784x16xf32, #tpu.memory_space<hbm>>
      %dma_start3A_72 = arith.constant 0 : i32
      %dma_start3A_73 = tpu.memref_slice %arg5[%add3A_58, %dma_start3A_72] : memref<200704x16xf32, #tpu.memory_space<hbm>> -> memref<784x16xf32, #tpu.memory_space<hbm>>
      tpu.enqueue_dma source(%arg14 : memref<784x16xf32, #tpu.memory_space<vmem>>) target(%dma_start3A_73 : memref<784x16xf32, #tpu.memory_space<hbm>>) target_semaphore(%run_scoped3A : memref<!tpu.dma_semaphore, #tpu.memory_space<semaphore_mem>>)
      %dma_wait3A = arith.constant 0 : i32
      %dma_wait3A_74 = tpu.memref_slice %arg5[%add3A_58, %dma_wait3A] : memref<200704x16xf32, #tpu.memory_space<hbm>> -> memref<784x16xf32, #tpu.memory_space<hbm>>
      %dma_wait3A_75 = arith.constant 0 : i32
      %dma_wait3A_76 = tpu.memref_slice %arg5[%add3A_58, %dma_wait3A_75] : memref<200704x16xf32, #tpu.memory_space<hbm>> -> memref<784x16xf32, #tpu.memory_space<hbm>>
      tpu.wait_dma2 semaphore(%run_scoped3A : memref<!tpu.dma_semaphore, #tpu.memory_space<semaphore_mem>>) src(%arg14 : memref<784x16xf32, #tpu.memory_space<vmem>>) dst(%dma_wait3A_76 : memref<784x16xf32, #tpu.memory_space<hbm>>)
      tpu.yield
    }) : () -> ()
    %add3A_59 = arith.constant 3920 : i32
    %add3A_60 = arith.addi %mul3A_6, %add3A_59 : i32
    "tpu.region"() ({
      %run_scoped3A = tpu.sem_alloc : memref<!tpu.dma_semaphore, #tpu.memory_space<semaphore_mem>>
      %dma_start3A = arith.constant 0 : i32
      %dma_start3A_71 = tpu.memref_slice %arg15[%add3A_60, %dma_start3A] : memref<100352x16xf32, #tpu.memory_space<vmem_shared>> -> memref<784x16xf32, #tpu.memory_space<vmem_shared>>
      %dma_start3A_72 = arith.constant 0 : i32
      %dma_start3A_73 = tpu.memref_slice %arg15[%add3A_60, %dma_start3A_72] : memref<100352x16xf32, #tpu.memory_space<vmem_shared>> -> memref<784x16xf32, #tpu.memory_space<vmem_shared>>
      tpu.enqueue_dma source(%dma_start3A_73 : memref<784x16xf32, #tpu.memory_space<vmem_shared>>) target(%arg14 : memref<784x16xf32, #tpu.memory_space<vmem>>) target_semaphore(%run_scoped3A : memref<!tpu.dma_semaphore, #tpu.memory_space<semaphore_mem>>)
      %dma_wait3A = arith.constant 0 : i32
      %dma_wait3A_74 = tpu.memref_slice %arg15[%add3A_60, %dma_wait3A] : memref<100352x16xf32, #tpu.memory_space<vmem_shared>> -> memref<784x16xf32, #tpu.memory_space<vmem_shared>>
      %dma_wait3A_75 = arith.constant 0 : i32
      %dma_wait3A_76 = tpu.memref_slice %arg15[%add3A_60, %dma_wait3A_75] : memref<100352x16xf32, #tpu.memory_space<vmem_shared>> -> memref<784x16xf32, #tpu.memory_space<vmem_shared>>
      tpu.wait_dma2 semaphore(%run_scoped3A : memref<!tpu.dma_semaphore, #tpu.memory_space<semaphore_mem>>) src(%dma_wait3A_76 : memref<784x16xf32, #tpu.memory_space<vmem_shared>>) dst(%arg14 : memref<784x16xf32, #tpu.memory_space<vmem>>)
      tpu.yield
    }) : () -> ()
    %add3A_61 = arith.constant 3920 : i32
    %add3A_62 = arith.addi %add3A_38, %add3A_61 : i32
    "tpu.region"() ({
      %run_scoped3A = tpu.sem_alloc : memref<!tpu.dma_semaphore, #tpu.memory_space<semaphore_mem>>
      %dma_start3A = arith.constant 0 : i32
      %dma_start3A_71 = tpu.memref_slice %arg5[%add3A_62, %dma_start3A] : memref<200704x16xf32, #tpu.memory_space<hbm>> -> memref<784x16xf32, #tpu.memory_space<hbm>>
      %dma_start3A_72 = arith.constant 0 : i32
      %dma_start3A_73 = tpu.memref_slice %arg5[%add3A_62, %dma_start3A_72] : memref<200704x16xf32, #tpu.memory_space<hbm>> -> memref<784x16xf32, #tpu.memory_space<hbm>>
      tpu.enqueue_dma source(%arg14 : memref<784x16xf32, #tpu.memory_space<vmem>>) target(%dma_start3A_73 : memref<784x16xf32, #tpu.memory_space<hbm>>) target_semaphore(%run_scoped3A : memref<!tpu.dma_semaphore, #tpu.memory_space<semaphore_mem>>)
      %dma_wait3A = arith.constant 0 : i32
      %dma_wait3A_74 = tpu.memref_slice %arg5[%add3A_62, %dma_wait3A] : memref<200704x16xf32, #tpu.memory_space<hbm>> -> memref<784x16xf32, #tpu.memory_space<hbm>>
      %dma_wait3A_75 = arith.constant 0 : i32
      %dma_wait3A_76 = tpu.memref_slice %arg5[%add3A_62, %dma_wait3A_75] : memref<200704x16xf32, #tpu.memory_space<hbm>> -> memref<784x16xf32, #tpu.memory_space<hbm>>
      tpu.wait_dma2 semaphore(%run_scoped3A : memref<!tpu.dma_semaphore, #tpu.memory_space<semaphore_mem>>) src(%arg14 : memref<784x16xf32, #tpu.memory_space<vmem>>) dst(%dma_wait3A_76 : memref<784x16xf32, #tpu.memory_space<hbm>>)
      tpu.yield
    }) : () -> ()
    %add3A_63 = arith.constant 4704 : i32
    %add3A_64 = arith.addi %mul3A_6, %add3A_63 : i32
    "tpu.region"() ({
      %run_scoped3A = tpu.sem_alloc : memref<!tpu.dma_semaphore, #tpu.memory_space<semaphore_mem>>
      %dma_start3A = arith.constant 0 : i32
      %dma_start3A_71 = tpu.memref_slice %arg15[%add3A_64, %dma_start3A] : memref<100352x16xf32, #tpu.memory_space<vmem_shared>> -> memref<784x16xf32, #tpu.memory_space<vmem_shared>>
      %dma_start3A_72 = arith.constant 0 : i32
      %dma_start3A_73 = tpu.memref_slice %arg15[%add3A_64, %dma_start3A_72] : memref<100352x16xf32, #tpu.memory_space<vmem_shared>> -> memref<784x16xf32, #tpu.memory_space<vmem_shared>>
      tpu.enqueue_dma source(%dma_start3A_73 : memref<784x16xf32, #tpu.memory_space<vmem_shared>>) target(%arg14 : memref<784x16xf32, #tpu.memory_space<vmem>>) target_semaphore(%run_scoped3A : memref<!tpu.dma_semaphore, #tpu.memory_space<semaphore_mem>>)
      %dma_wait3A = arith.constant 0 : i32
      %dma_wait3A_74 = tpu.memref_slice %arg15[%add3A_64, %dma_wait3A] : memref<100352x16xf32, #tpu.memory_space<vmem_shared>> -> memref<784x16xf32, #tpu.memory_space<vmem_shared>>
      %dma_wait3A_75 = arith.constant 0 : i32
      %dma_wait3A_76 = tpu.memref_slice %arg15[%add3A_64, %dma_wait3A_75] : memref<100352x16xf32, #tpu.memory_space<vmem_shared>> -> memref<784x16xf32, #tpu.memory_space<vmem_shared>>
      tpu.wait_dma2 semaphore(%run_scoped3A : memref<!tpu.dma_semaphore, #tpu.memory_space<semaphore_mem>>) src(%dma_wait3A_76 : memref<784x16xf32, #tpu.memory_space<vmem_shared>>) dst(%arg14 : memref<784x16xf32, #tpu.memory_space<vmem>>)
      tpu.yield
    }) : () -> ()
    %add3A_65 = arith.constant 4704 : i32
    %add3A_66 = arith.addi %add3A_38, %add3A_65 : i32
    "tpu.region"() ({
      %run_scoped3A = tpu.sem_alloc : memref<!tpu.dma_semaphore, #tpu.memory_space<semaphore_mem>>
      %dma_start3A = arith.constant 0 : i32
      %dma_start3A_71 = tpu.memref_slice %arg5[%add3A_66, %dma_start3A] : memref<200704x16xf32, #tpu.memory_space<hbm>> -> memref<784x16xf32, #tpu.memory_space<hbm>>
      %dma_start3A_72 = arith.constant 0 : i32
      %dma_start3A_73 = tpu.memref_slice %arg5[%add3A_66, %dma_start3A_72] : memref<200704x16xf32, #tpu.memory_space<hbm>> -> memref<784x16xf32, #tpu.memory_space<hbm>>
      tpu.enqueue_dma source(%arg14 : memref<784x16xf32, #tpu.memory_space<vmem>>) target(%dma_start3A_73 : memref<784x16xf32, #tpu.memory_space<hbm>>) target_semaphore(%run_scoped3A : memref<!tpu.dma_semaphore, #tpu.memory_space<semaphore_mem>>)
      %dma_wait3A = arith.constant 0 : i32
      %dma_wait3A_74 = tpu.memref_slice %arg5[%add3A_66, %dma_wait3A] : memref<200704x16xf32, #tpu.memory_space<hbm>> -> memref<784x16xf32, #tpu.memory_space<hbm>>
      %dma_wait3A_75 = arith.constant 0 : i32
      %dma_wait3A_76 = tpu.memref_slice %arg5[%add3A_66, %dma_wait3A_75] : memref<200704x16xf32, #tpu.memory_space<hbm>> -> memref<784x16xf32, #tpu.memory_space<hbm>>
      tpu.wait_dma2 semaphore(%run_scoped3A : memref<!tpu.dma_semaphore, #tpu.memory_space<semaphore_mem>>) src(%arg14 : memref<784x16xf32, #tpu.memory_space<vmem>>) dst(%dma_wait3A_76 : memref<784x16xf32, #tpu.memory_space<hbm>>)
      tpu.yield
    }) : () -> ()
    %add3A_67 = arith.constant 5488 : i32
    %add3A_68 = arith.addi %mul3A_6, %add3A_67 : i32
    "tpu.region"() ({
      %run_scoped3A = tpu.sem_alloc : memref<!tpu.dma_semaphore, #tpu.memory_space<semaphore_mem>>
      %dma_start3A = arith.constant 0 : i32
      %dma_start3A_71 = tpu.memref_slice %arg15[%add3A_68, %dma_start3A] : memref<100352x16xf32, #tpu.memory_space<vmem_shared>> -> memref<784x16xf32, #tpu.memory_space<vmem_shared>>
      %dma_start3A_72 = arith.constant 0 : i32
      %dma_start3A_73 = tpu.memref_slice %arg15[%add3A_68, %dma_start3A_72] : memref<100352x16xf32, #tpu.memory_space<vmem_shared>> -> memref<784x16xf32, #tpu.memory_space<vmem_shared>>
      tpu.enqueue_dma source(%dma_start3A_73 : memref<784x16xf32, #tpu.memory_space<vmem_shared>>) target(%arg14 : memref<784x16xf32, #tpu.memory_space<vmem>>) target_semaphore(%run_scoped3A : memref<!tpu.dma_semaphore, #tpu.memory_space<semaphore_mem>>)
      %dma_wait3A = arith.constant 0 : i32
      %dma_wait3A_74 = tpu.memref_slice %arg15[%add3A_68, %dma_wait3A] : memref<100352x16xf32, #tpu.memory_space<vmem_shared>> -> memref<784x16xf32, #tpu.memory_space<vmem_shared>>
      %dma_wait3A_75 = arith.constant 0 : i32
      %dma_wait3A_76 = tpu.memref_slice %arg15[%add3A_68, %dma_wait3A_75] : memref<100352x16xf32, #tpu.memory_space<vmem_shared>> -> memref<784x16xf32, #tpu.memory_space<vmem_shared>>
      tpu.wait_dma2 semaphore(%run_scoped3A : memref<!tpu.dma_semaphore, #tpu.memory_space<semaphore_mem>>) src(%dma_wait3A_76 : memref<784x16xf32, #tpu.memory_space<vmem_shared>>) dst(%arg14 : memref<784x16xf32, #tpu.memory_space<vmem>>)
      tpu.yield
    }) : () -> ()
    %add3A_69 = arith.constant 5488 : i32
    %add3A_70 = arith.addi %add3A_38, %add3A_69 : i32
    "tpu.region"() ({
      %run_scoped3A = tpu.sem_alloc : memref<!tpu.dma_semaphore, #tpu.memory_space<semaphore_mem>>
      %dma_start3A = arith.constant 0 : i32
      %dma_start3A_71 = tpu.memref_slice %arg5[%add3A_70, %dma_start3A] : memref<200704x16xf32, #tpu.memory_space<hbm>> -> memref<784x16xf32, #tpu.memory_space<hbm>>
      %dma_start3A_72 = arith.constant 0 : i32
      %dma_start3A_73 = tpu.memref_slice %arg5[%add3A_70, %dma_start3A_72] : memref<200704x16xf32, #tpu.memory_space<hbm>> -> memref<784x16xf32, #tpu.memory_space<hbm>>
      tpu.enqueue_dma source(%arg14 : memref<784x16xf32, #tpu.memory_space<vmem>>) target(%dma_start3A_73 : memref<784x16xf32, #tpu.memory_space<hbm>>) target_semaphore(%run_scoped3A : memref<!tpu.dma_semaphore, #tpu.memory_space<semaphore_mem>>)
      %dma_wait3A = arith.constant 0 : i32
      %dma_wait3A_74 = tpu.memref_slice %arg5[%add3A_70, %dma_wait3A] : memref<200704x16xf32, #tpu.memory_space<hbm>> -> memref<784x16xf32, #tpu.memory_space<hbm>>
      %dma_wait3A_75 = arith.constant 0 : i32
      %dma_wait3A_76 = tpu.memref_slice %arg5[%add3A_70, %dma_wait3A_75] : memref<200704x16xf32, #tpu.memory_space<hbm>> -> memref<784x16xf32, #tpu.memory_space<hbm>>
      tpu.wait_dma2 semaphore(%run_scoped3A : memref<!tpu.dma_semaphore, #tpu.memory_space<semaphore_mem>>) src(%arg14 : memref<784x16xf32, #tpu.memory_space<vmem>>) dst(%dma_wait3A_76 : memref<784x16xf32, #tpu.memory_space<hbm>>)
      tpu.yield
    }) : () -> ()
    return
  }
}

</mosaic_0001>

<sc_bundles>
// kernel: kernel.3.cloned.1.call-start
scs
__scs_entry_jumppad:
0x0: {  	(pc) =	sbr.rel $0x88, $3  }
0x1: {  	(tag) =	ssettag $0x0;
	lr =	simm.s32 $0x1  }
0x2: {  	[smem:$0x3F9E] =	sst lr;
	_ =	strace $0xD0000000  }
0x3: {  	_ = 	snop  }
0x4: {  	_ = 	snop  }
0x5: {  	_ = 	snop  }
0x6: {  	_ = 	snop  }
0x7: {  	_ = 	snop  }
__scs_overlays_trampoline_lowered:
0x8: {  	[smem:$0x3FAD] =	sst s0  }
0x9: {  	[smem:$0x3FAE] =	sst s1  }
0xa: {  	[smem:$0x3FAF] =	sst s2  }
0xb: {  	[smem:$0x3FB0] =	sst s3  }
0xc: {  	[smem:$0x3FB1] =	sst s4  }
0xd: {  	[smem:$0x3FB2] =	sst s5  }
0xe: {  	[smem:$0x3FB3] =	sst s6  }
0xf: {  	[smem:$0x3FB4] =	sst s7  }
0x10: {  	[smem:$0x3FB5] =	sst s8  }
0x11: {  	[smem:$0x3FB6] =	sst s9;
	s0 =	simm.s32 @!p0 $0x0  }
0x12: {  	s1 =	sld [smem:$0x3F9C];
	s0 =	simm.s32 @p0 $0x1  }
0x13: {  	[smem:$0x3FB7] =	sst s0;
	s0 =	simm.s32 @!p1 $0x0  }
0x14: {  	s2 =	sld [smem:$0x3F9B];
	s0 =	simm.s32 @p1 $0x1  }
0x15: {  	[smem:$0x3FB8] =	sst s0;
	s0 =	simm.s32 @!p2 $0x0  }
0x16: {  	s3 =	sld [smem:$0x3FDB];
	s0 =	simm.s32 @p2 $0x1  }
0x17: {  	s4 =	simm.s32 $0x1BF5;
	[smem:$0x3FBA] =	sst s0  }
0x18: {  	s0 =	sld [smem:$0x3F9D];
	_ =	swait.ge [sflag:s4], $0x0  }
0x19: {  	s7 =	sld [smem:$0x3F9E]  }
0x1a: {  	s8 =	sadd.s32 $0xFFFFE003, lr  }
0x1b: {  	s9 =	sadd.s32 $0xFFFFFEF7, lr;
	s5 =	simm.s32 $0xFFFFFFFF;
	p2 =	slt.u32 s8, $0xFFFFF086  }
0x1c: {  	p1 =	slt.u32 s9, $0xF7A;
	s5 =	simm.s32 @!p2 $0x0  }
0x1d: {  	s5 =	simm.s32 @p1 $0x1;
	p0 =	seq.s32 s7, s2  }
0x1e: {  	s7 =	smul.u32 @!p0 $0xF7A, s2;
	p2 =	seq.s32 @!p0 s5, $0x0  }
0x1f: {  	s9 =	smul.u32 $0xF7A, s1;
	s8 =	simm.s32 @!p0 $0x1BF5;
	p2 =	por !p2, p0  }
0x20: {  	[sflag:s8] =	ssyncset.s32 @!p0 $0xFFFFF086;
	s6 =	sadd.s32 @!p0 s3, s7;
	s7 =	simm.s32 @!p0 $0x108  }
0x21: {  	s3 =	sadd.s32 s3, s9;
	s6 =	sadd.s32 @!p0 $0x88, s6;
	s7 =	simm.s32 @p2 $0x1082  }
0x22: {  	[simem:s7], [sflag:s8] =	dma.local @!p0 [hbm:s6], $0xF7A  }
0x23: {  	s9 =	sor.u32 $0xD0000000, s2;
	s6 =	simm.s32 $0x108;
	_ =	swait.ge @!p0 [sflag:s8], $0x0  }
0x24: {  	s3 =	sadd.s32 $0x88, s3;
	s6 =	simm.s32 @!p1 $0x1082;
	[sflag:s4] =	ssyncset.s32 $0xFFFFF086  }
0x25: {  	[simem:s6], [sflag:s4] =	dma.local [hbm:s3], $0xF7A  }
0x26: {  	[smem:$0x3F9E] =	sst s1;
	(tag) =	ssettag s2;
	_ =	strace s9  }
0x27: {  	s1 =	sld [smem:$0x3FAE]  }
0x28: {  	s2 =	sld [smem:$0x3FAF]  }
0x29: {  	s4 =	sld [smem:$0x3FB1]  }
0x2a: {  	p0 =	seq.s32 s5, $0x0;
	s5 =	sld [smem:$0x3FB2]  }
0x2b: {  	s6 =	sld [smem:$0x3FB3]  }
0x2c: {  	s7 =	sld [smem:$0x3FB4]  }
0x2d: {  	s3 =	simm.s32 $0x108;
	s8 =	sld [smem:$0x3FB5]  }
0x2e: {  	s3 =	simm.s32 @!p0 $0x1082;
	s9 =	sld [smem:$0x3FB6]  }
0x2f: {  	lr =	sadd.s32 s0, s3;
	s0 =	sld [smem:$0x3FAD]  }
0x30: {  	s3 =	sld [smem:$0x3FB0]  }
0x31: {  	[smem:$0x3FB9] =	sst s10  }
0x32: {  	s10 =	sld [smem:$0x3FB7];
	_ =	sdelay $0x3  }
0x33: {  	p0 =	seq.s32 s10, $0x1;
	s10 =	sld [smem:$0x3FB9];
	_ =	sdelay $0x3  }
0x34: {  	[smem:$0x3FB9] =	sst s10  }
0x35: {  	s10 =	sld [smem:$0x3FB8];
	_ =	sdelay $0x3  }
0x36: {  	p1 =	seq.s32 s10, $0x1;
	s10 =	sld [smem:$0x3FB9];
	_ =	sdelay $0x3  }
0x37: {  	[smem:$0x3FB9] =	sst s10  }
0x38: {  	s10 =	sld [smem:$0x3FBA]  }
0x39: {  	_ = 	snop;
	(pc) =	sbr.ind lr, $3  }
0x3a: {  	_ = 	snop  }
0x3b: {  	_ = 	snop  }
0x3c: {  	p2 =	seq.s32 s10, $0x1;
	s10 =	sld [smem:$0x3FB9]  }
0x3d: {  	_ =	shalt  }
0x3e: {  	_ =	shalt  }
0x3f: {  	_ =	shalt  }
0x40: {  	_ =	shalt  }
0x41: {  	_ =	shalt  }
0x42: {  	_ =	shalt  }
0x43: {  	_ =	shalt  }
0x44: {  	_ =	shalt  }
0x45: {  	_ =	shalt  }
0x46: {  	_ =	shalt  }
0x47: {  	_ =	shalt  }
0x48: {  	_ =	shalt  }
0x49: {  	_ =	shalt  }
0x4a: {  	_ =	shalt  }
0x4b: {  	_ =	shalt  }
0x4c: {  	_ =	shalt  }
0x4d: {  	_ =	shalt  }
0x4e: {  	_ =	shalt  }
0x4f: {  	_ =	shalt  }
0x50: {  	_ =	shalt  }
0x51: {  	_ =	shalt  }
0x52: {  	_ =	shalt  }
0x53: {  	_ =	shalt  }
0x54: {  	_ =	shalt  }
0x55: {  	_ =	shalt  }
0x56: {  	_ =	shalt  }
0x57: {  	_ =	shalt  }
0x58: {  	_ =	shalt  }
0x59: {  	_ =	shalt  }
0x5a: {  	_ =	shalt  }
0x5b: {  	_ =	shalt  }
0x5c: {  	_ =	shalt  }
0x5d: {  	_ =	shalt  }
0x5e: {  	_ =	shalt  }
0x5f: {  	_ =	shalt  }
0x60: {  	_ =	shalt  }
0x61: {  	_ =	shalt  }
0x62: {  	_ =	shalt  }
0x63: {  	_ =	shalt  }
0x64: {  	_ =	shalt  }
0x65: {  	_ =	shalt  }
0x66: {  	_ =	shalt  }
0x67: {  	_ =	shalt  }
0x68: {  	_ =	shalt  }
0x69: {  	_ =	shalt  }
0x6a: {  	_ =	shalt  }
0x6b: {  	_ =	shalt  }
0x6c: {  	_ =	shalt  }
0x6d: {  	_ =	shalt  }
0x6e: {  	_ =	shalt  }
0x6f: {  	_ =	shalt  }
0x70: {  	_ =	shalt  }
0x71: {  	_ =	shalt  }
0x72: {  	_ =	shalt  }
0x73: {  	_ =	shalt  }
0x74: {  	_ =	shalt  }
0x75: {  	_ =	shalt  }
0x76: {  	_ =	shalt  }
0x77: {  	_ =	shalt  }
0x78: {  	_ =	shalt  }
0x79: {  	_ =	shalt  }
0x7a: {  	_ =	shalt  }
0x7b: {  	_ =	shalt  }
0x7c: {  	_ =	shalt  }
0x7d: {  	_ =	shalt  }
0x7e: {  	_ =	shalt  }
0x7f: {  	_ =	shalt  }
0x80: {  	_ =	shalt  }
0x81: {  	_ =	shalt  }
0x82: {  	_ =	shalt  }
0x83: {  	_ =	shalt  }
0x84: {  	_ =	shalt  }
0x85: {  	_ =	shalt  }
0x86: {  	_ =	shalt  }
0x87: {  	_ =	shalt  }
.Lfunc_end0:
.L_simem_size_0:
called_computation_lowered:
.L_overlay_start_0:
0x88: {  	s2 =	sld [smem:$0x3FD9]  }
0x89: {  	s3 =	sld [smem:$0x3FFE];
	_ =	sdelay $0x1  }
0x8a: {  	s1 =	srdreg.scid  }
0x8b: {  	s0 =	sand.u32 $0x1, s1  }
0x8c: {  	s17 =	sshll.u32 s0, $0xA;
	s2 =	sadd.s32 s3, s2  }
0x8d: {  	s2 =	sadd.s32 s2, s17  }
0x8e: {  	[smem:$0x3FC5] =	sst s2  }
0x8f: {  	_ = 	snop  }
0x90: {  	s2 =	sld [smem:$0x3FD0];
	(tm) =	ssettm $0x1  }
0x91: {  	s18 =	sld [smem:$0x3FFB];
	_ =	sdelay $0x3  }
0x92: {  	_ =	strace s18  }
0x93: {  	s3 =	sld [smem:$0x3FFC];
	_ =	sdelay $0x3  }
0x94: {  	_ =	strace s3  }
0x95: {  	s3 =	sld [smem:$0x3FFD];
	_ =	sdelay $0x3  }
0x96: {  	_ =	strace s3  }
0x97: {  	_ =	strace $0x8FFFFFFF  }
0x98: {  	s19 =	sld [smem:$0x3FDB];
	_ =	sdelay $0x1  }
0x99: {  	s4 =	simm.s32 $_scs_section_size  }
0x9a: {  	s5 =	simm.s32 $_size__tile_overlayer_lowered;
	s6 =	simm.s32 $_tile_overlayer_lowered  }
0x9b: {  	s22 =	simm.s32 $0x1BFF;
	s21 =	sshll.u32 s6, $0x1;
	s3 =	sadd.s32 s4, s19  }
0x9c: {  	s7 =	simm.s32 $0x0;
	s20 =	sshll.u32 s5, $0x1;
	s5 =	sadd.s32 s21, s3  }
0x9d: {  	[timem:s7], [sflag:s22] =	dma.local [hbm:s5], s20  }
0x9e: {  	_ =	swait.ge [sflag:s22], s20  }
0x9f: {  	s4 =	ssub.s32 $0x0, s20;
	[sflag:s22] =	ssyncset.done $0x0  }
0xa0: {  	[sflag:s22] =	ssyncadd.s32 s4;
	_ =	sdelay $0x1  }
0xa1: {  	s23 =	simm.s32 $0x1B8B  }
0xa2: {  	_ =	swait.ge [sflag:s23], $0x1  }
0xa3: {  	[sflag:s23] =	ssyncset.done $0x0  }
0xa4: {  	s25 =	simm.s32 $0x1B8E;
	s24 =	sld [smem:$0x3FFE];
	[sflag:s23] =	ssyncadd.s32 $0xFFFFFFFF  }
0xa5: {  	s26 =	simm.s32 $execute0_lowered;
	[smem:$0x3FD2] =	sst s25  }
0xa6: {  	s5 =	sshll.u32 s26, $0x1;
	_ =	strace $0x80000046;
	[dreg:$0x1] =	wrdreg $0xFFFFFFFF  }
0xa7: {  	s28 =	simm.s32 $_size_execute0_lowered;
	s3 =	sadd.s32 s3, s5;
	[dreg:$0x0] =	wrdreg $0x0  }
0xa8: {  	s5 =	sshll.u32 s28, $0x1;
	[dreg:$0x2] =	wrdreg s3  }
0xa9: {  	[dreg:$0x3] =	wrdreg s5  }
0xaa: {  	[dreg:$0x4] =	wrdreg $0xC0  }
0xab: {  	_ =	task [dreg:s7], $0x5FFFF  }
0xac: {  	[dreg:$0x1] =	wrdreg $0xFFFFFFFF  }
0xad: {  	[dreg:$0x0] =	wrdreg $0x60  }
0xae: {  	[dreg:$0x2] =	wrdreg s24  }
0xaf: {  	[dreg:$0x3] =	wrdreg s2  }
0xb0: {  	[dreg:$0x4] =	wrdreg $0x53000  }
0xb1: {  	[dreg:$0x5] =	wrdreg $0x9  }
0xb2: {  	_ =	task.clear_ibuf [dreg:s7], $0x6FFFF;
	_ =	strace $0x90000046  }
0xb3: {  	s29 =	simm.s32 $0x9;
	_ =	strace $0x80000048  }
0xb4: {  	_ =	swait.ge [sflag:s29], $0x1  }
0xb5: {  	[sflag:s29] =	ssyncadd.s32 $0xFFFFFFFF  }
0xb6: {  	_ =	strace $0x90000048  }
0xb7: {  	_ =	sfence  }
0xb8: {  	s30 =	sld [smem:$0x0];
	_ =	sdelay $0x2  }
0xb9: {  	s31 =	sshll.u32 s1, $0xD;
	s1 =	sshrl.u32 s1, $0x2  }
0xba: {  	s3 =	sand.u32 $0x4000, s31;
	s1 =	sadd.s32 s1, s30  }
0xbb: {  	s0 =	sor.u32 s3, s0;
	s1 =	sshll.u32 s1, $0x11  }
0xbc: {  	s0 =	sor.u32 s1, s0  }
0xbd: {  	s0 =	sadd.s32 $0x8F2B, s0  }
0xbe: {  	[sflag:s0] =	ssyncadd.remote.s32 $0x1  }
0xbf: {  	_ =	sfence.sel $0xFFFF  }
0xc0: {  	[dreg:$0x0] =	wrdreg $0xFFFFFFFF;
	(pc) =	sbr.abs _section_cstart, $3  }
0xc1: {  	[dreg:$0x1] =	wrdreg $0xFFFFFFFF  }
0xc2: {  	_ =	task.clear_ibuf [dreg:s7], $0x2FFFF;
	_ =	strace $0x9FFFFFFF  }
0xc3: {  	(tm) =	ssettm $0x7FFFFFFF  }
tec
execute0_lowered:
.L_overlay_start_1:
0x0: {  	(tag) =	ssettag $0x1  }
0x1: {  	s0 =	rddreg [dreg:$0x0]  }
0x2: {  	s2 =	rddreg [dreg:$0x1]  }
0x3: {  	s3 =	rddreg [dreg:$0x2]  }
0x4: {  	s1 =	srdreg.scid;
	s15 =	stileid.u32;
	s4 =	simm.s32 $0x0  }
0x5: {  	s28 =	simm.s32 $0x80;
	s29 =	simm.s32 $0x100;
	s30 =	simm.s32 $0x200  }
0x6: {  	s31 =	simm.s32 $0x180;
	s18 =	simm.s32 $0x1A00;
	s7 =	smul.u32 $0x1880, s15  }
0x7: {  	s19 =	simm.s32 $0x0;
	s1 =	sand.u32 $0x1, s1;
	s8 =	smul.u32 $0x62000, s15  }
0x8: {  	[smem:$0x7FF] =	sst s4;
	s5 =	sadd.s32 $0x1600, s0;
	s17 =	smul.u32 $0x18800, s1  }
0x9: {  	s6 =	sadd.s32 $0x63600, s0;
	s15 =	smul.u32 $0x18700, s15;
	s1 =	ssub.s32 $0x2, s1  }
0xa: {  	_ =	strace $0x80000047;
	s9 =	sshrl.u32 s1, $0x1;
	s7 =	sadd.s32 s7, s17  }
0xb: {  	s8 =	sshrl.u32 s8, $0x2;
	s1 =	ssub.s32 s1, s9;
	s7 =	sshll.u32 s7, $0x1  }
0xc: {  	v0 =	vmov s17;
	s17 =	simm.s32 $0x1200;
	s26 =	smax.u32 s1, $0x1;
	s0 =	sadd.s32 s7, s0  }
0xd: {  	s1 =	simm.s32 $0x1;
	[dreg:$0xc] =	wrdreg s26;
	s16 =	sadd.s32 $0x94400, s0  }
0xe: {  	s7 =	sadd.s32 s8, s3;
	s20 =	sadd.s32 $0x94A20, s0;
	[dreg:$0x4] =	wrdreg s16  }
0xf: {  	s26 =	simm.s32 $0x3;
	s21 =	sadd.s32 $0x95040, s0;
	[dreg:$0x5] =	wrdreg s20  }
0x10: {  	s8 =	sadd.s32 $0x3100, s7;
	s22 =	sadd.s32 $0x95660, s0;
	[dreg:$0x6] =	wrdreg s21  }
0x11: {  	s9 =	sadd.s32 $0x6200, s7;
	s23 =	sadd.s32 $0x95C80, s0;
	[dreg:$0x7] =	wrdreg s22  }
0x12: {  	s10 =	sadd.s32 $0x9300, s7;
	s24 =	sadd.s32 $0x962A0, s0;
	[dreg:$0x8] =	wrdreg s23  }
0x13: {  	s11 =	sadd.s32 $0xC400, s7;
	s25 =	sadd.s32 $0x968C0, s0;
	[dreg:$0x9] =	wrdreg s24  }
0x14: {  	s12 =	sadd.s32 $0xF500, s7;
	s0 =	sadd.s32 $0x96EE0, s0;
	[dreg:$0xa] =	wrdreg s25  }
0x15: {  	s13 =	sadd.s32 $0x12600, s7;
	s14 =	sadd.s32 $0x15700, s7;
	[dreg:$0xb] =	wrdreg s0  }
0x16: {  	v1 =	vimm.f32 $0.0e+00;
	s25 =	simm.s32 $0x2200;
	s0 =	simm.s32 $0xA00;
	s16 =	simm.s32 $0x2  }
.LBB2_1:
0x17: {  	s20 =	simm.s32 $0x40;
	s21 =	simm.s32 $0x0  }
.LBB2_2:
0x18: {  	p0 =	sne.s32 s20, $0xC3C0;
	[tilespmem:s21+$0x2200] =	vst v1;
	s21 =	smov.u32 s20;
	s20 =	sadd.s32 $0x40, s20  }
.Ltmp0:
0x19: {  	(pc) =	sbr.rel @p0 .LBB2_2-.Ltmp0, $2  }
0x1a: {  	_ =	sdelay $0x2  }
0x1b: {  	s21 =	sshra.s32 s21, $0x2  }
0x1c: {  	[tilespmem:s21+$0x2200] =	vst v1  }
0x1d: {  	[spmem:s7] =	stream.linear.scatter [tilespmem:s25], [sflag:$0x3], $0x3100, $0x38;
	[tilespmem:$0x1DB00] =	vst v63  }
0x1e: {  	_ =	swait.ge [sflag:s26], $0x3100  }
0x1f: {  	[sflag:s26] =	ssyncset.done $0x0  }
0x20: {  	[sflag:s26] =	ssyncadd.s32 $0xFFFFCF00  }
0x21: {  	[spmem:s8] =	stream.linear.scatter [tilespmem:s25], [sflag:$0x3], $0x3100, $0x38;
	[tilespmem:$0x1DB00] =	vst v63  }
0x22: {  	_ =	swait.ge [sflag:s26], $0x3100  }
0x23: {  	[sflag:s26] =	ssyncset.done $0x0  }
0x24: {  	[sflag:s26] =	ssyncadd.s32 $0xFFFFCF00  }
0x25: {  	[spmem:s9] =	stream.linear.scatter [tilespmem:s25], [sflag:$0x3], $0x3100, $0x38;
	[tilespmem:$0x1DB00] =	vst v63  }
0x26: {  	_ =	swait.ge [sflag:s26], $0x3100  }
0x27: {  	[sflag:s26] =	ssyncset.done $0x0  }
0x28: {  	[sflag:s26] =	ssyncadd.s32 $0xFFFFCF00  }
0x29: {  	[spmem:s10] =	stream.linear.scatter [tilespmem:s25], [sflag:$0x3], $0x3100, $0x38;
	[tilespmem:$0x1DB00] =	vst v63  }
0x2a: {  	_ =	swait.ge [sflag:s26], $0x3100  }
0x2b: {  	[sflag:s26] =	ssyncset.done $0x0  }
0x2c: {  	[sflag:s26] =	ssyncadd.s32 $0xFFFFCF00  }
0x2d: {  	[spmem:s11] =	stream.linear.scatter [tilespmem:s25], [sflag:$0x3], $0x3100, $0x38;
	[tilespmem:$0x1DB00] =	vst v63  }
0x2e: {  	_ =	swait.ge [sflag:s26], $0x3100  }
0x2f: {  	[sflag:s26] =	ssyncset.done $0x0  }
0x30: {  	[sflag:s26] =	ssyncadd.s32 $0xFFFFCF00  }
0x31: {  	[spmem:s12] =	stream.linear.scatter [tilespmem:s25], [sflag:$0x3], $0x3100, $0x38;
	[tilespmem:$0x1DB00] =	vst v63  }
0x32: {  	_ =	swait.ge [sflag:s26], $0x3100  }
0x33: {  	[sflag:s26] =	ssyncset.done $0x0  }
0x34: {  	[sflag:s26] =	ssyncadd.s32 $0xFFFFCF00  }
0x35: {  	[spmem:s13] =	stream.linear.scatter [tilespmem:s25], [sflag:$0x3], $0x3100, $0x38;
	[tilespmem:$0x1DB00] =	vst v63  }
0x36: {  	_ =	swait.ge [sflag:s26], $0x3100  }
0x37: {  	[sflag:s26] =	ssyncset.done $0x0  }
0x38: {  	[sflag:s26] =	ssyncadd.s32 $0xFFFFCF00  }
0x39: {  	[spmem:s14] =	stream.linear.scatter [tilespmem:s25], [sflag:$0x3], $0x3100, $0x38;
	[tilespmem:$0x1DB00] =	vst v63  }
0x3a: {  	_ =	swait.ge [sflag:s26], $0x3100  }
0x3b: {  	[sflag:s26] =	ssyncset.done $0x0  }
0x3c: {  	[sflag:s26] =	ssyncadd.s32 $0xFFFFCF00  }
0x3d: {  	s20 =	simm.s32 $0x0;
	s21 =	simm.s32 $0x0;
	[bflag:$0x0] =	sbarrier.arrive $0xFFFF  }
.LBB2_4:
0x3e: {  	s22 =	sshll.u32 s21, $0x7  }
0x3f: {  	s22 =	sadd.s32 s15, s22  }
0x40: {  	s22 =	sshrl.u32 s22, $0x3  }
0x41: {  	s23 =	sadd.s32 s2, s22  }
0x42: {  	[tilespmem:s20], [sflag:$0x3] =	stream.linear.gather [hbm4b:s23+s20], $0x80, $0x38;
	[tilespmem:$0x1DB00] =	vst v63  }
0x43: {  	_ =	swait.ge [sflag:s26], $0x80  }
0x44: {  	[sflag:s26] =	ssyncset.done $0x0  }
0x45: {  	s22 =	sadd.s32 s6, s22;
	[sflag:s26] =	ssyncadd.s32 $0xFFFFFF80  }
0x46: {  	[tilespmem:s28], [sflag:$0x3] =	stream.linear.gather [hbm4b:s22+s20], $0x80, $0x38;
	[tilespmem:$0x1DB00] =	vst v63  }
0x47: {  	_ =	swait.ge [sflag:s26], $0x80  }
0x48: {  	[sflag:s26] =	ssyncset.done $0x0  }
0x49: {  	[sflag:s26] =	ssyncadd.s32 $0xFFFFFF80  }
0x4a: {  	v2 =	vld [tilespmem:$0x0]  }
0x4b: {  	v3 =	vld [tilespmem:$0x80]  }
0x4c: {  	v4 =	vld [tilespmem:$0x10]  }
0x4d: {  	v5 =	vld [tilespmem:$0x90]  }
0x4e: {  	v6 =	vld [tilespmem:$0x20]  }
0x4f: {  	v7 =	vld [tilespmem:$0xA0];
	v2 =	vadd.s32 v0, v2  }
0x50: {  	[tilespmem:$0x100] =	vst v2;
	v2 =	vadd.s32 v0, v3;
	v3 =	vld [tilespmem:$0x30]  }
0x51: {  	[tilespmem:$0x180] =	vst v2;
	v2 =	vadd.s32 v0, v4;
	v4 =	vld [tilespmem:$0xB0]  }
0x52: {  	[tilespmem:$0x110] =	vst v2;
	v2 =	vadd.s32 v0, v5;
	v5 =	vld [tilespmem:$0x40]  }
0x53: {  	v60 =	vld [tilespmem:$0xC0];
	[tilespmem:$0x190] =	vst v2;
	v2 =	vadd.s32 v0, v6  }
0x54: {  	v61 =	vld [tilespmem:$0x50];
	[tilespmem:$0x120] =	vst v2;
	v2 =	vadd.s32 v0, v7  }
0x55: {  	[tilespmem:$0x1A0] =	vst v2;
	v2 =	vadd.s32 v0, v3;
	v3 =	vld [tilespmem:$0xD0]  }
0x56: {  	[tilespmem:$0x130] =	vst v2;
	v2 =	vadd.s32 v0, v4;
	v4 =	vld [tilespmem:$0x60]  }
0x57: {  	[tilespmem:$0x1B0] =	vst v2;
	v2 =	vadd.s32 v0, v5;
	v5 =	vld [tilespmem:$0xE0]  }
0x58: {  	v62 =	vld [tilespmem:$0x70];
	[tilespmem:$0x140] =	vst v2;
	v2 =	vadd.s32 v0, v60  }
0x59: {  	v63 =	vld [tilespmem:$0xF0];
	[tilespmem:$0x1C0] =	vst v2;
	v2 =	vadd.s32 v0, v61  }
0x5a: {  	[tilespmem:$0x150] =	vst v2;
	v2 =	vadd.s32 v0, v3  }
0x5b: {  	[tilespmem:$0x1D0] =	vst v2;
	v2 =	vadd.s32 v0, v4  }
0x5c: {  	[tilespmem:$0x160] =	vst v2;
	v2 =	vadd.s32 v0, v5  }
0x5d: {  	[tilespmem:$0x1E0] =	vst v2;
	v2 =	vadd.s32 v0, v62  }
0x5e: {  	[tilespmem:$0x170] =	vst v2;
	v2 =	vadd.s32 v0, v63  }
0x5f: {  	[tilespmem:$0x1F0] =	vst v2  }
0x60: {  	[tilespmem:s30], [sflag:$0x1] =	stream.indirect.gather [hbm4b:s5+s28], $0x10, s29, s28, $0xb8;
	[tilespmem:$0x1DB00] =	vst v63  }
0x61: {  	_ = 	snop  }
0x62: {  	[tilespmem:s0], [sflag:$0x2] =	stream.indirect.gather [hbm4b:s5+s28], $0x10, s31, s28, $0xb8;
	[tilespmem:$0x1DB00] =	vst v63  }
0x63: {  	_ =	swait.ge [sflag:s1], $0x800  }
0x64: {  	[sflag:s1] =	ssyncset.done $0x0  }
0x65: {  	[sflag:s1] =	ssyncadd.s32 $0xFFFFF800  }
0x66: {  	_ =	swait.ge [sflag:s16], $0x800  }
0x67: {  	[sflag:s16] =	ssyncset.done $0x0  }
0x68: {  	s22 =	simm.s32 $0x0;
	[sflag:s16] =	ssyncadd.s32 $0xFFFFF800  }
0x69: {  	v2 =	vld [tilespmem:s22+$0x200]  }
0x6a: {  	v3 =	vld [tilespmem:s22+$0xA00];
	_ =	sdelay $0x1  }
0x6b: {  	s23 =	simm.s32 $0x40  }
.LBB2_5:
0x6c: {  	p0 =	sne.s32 s23, $0x1FC0  }
.Ltmp1:
0x6d: {  	s24 =	sshra.s32 s23, $0x2;
	(pc) =	sbr.rel @p0 .LBB2_5-.Ltmp1, $4  }
0x6e: {  	s23 =	sadd.s32 $0x40, s23;
	v4 =	vsub.f32 v2, v3;
	v5 =	vsub.f32 v3, v2;
	v2 =	vld [tilespmem:s24+$0x200]  }
0x6f: {  	v3 =	vld [tilespmem:s24+$0xA00]  }
0x70: {  	[tilespmem:s22+$0x1A00] =	vst v5  }
0x71: {  	[tilespmem:s22+$0x1200] =	vst v4;
	s22 =	smov.u32 s24  }
0x72: {  	_ =	sdelay $0x1  }
0x73: {  	v4 =	vsub.f32 v3, v2  }
0x74: {  	v2 =	vsub.f32 v2, v3  }
0x75: {  	[tilespmem:s22+$0x1A00] =	vst v4  }
0x76: {  	[tilespmem:s22+$0x1200] =	vst v2  }
0x77: {  	[spmem:s3] =	stream.indirect.scatter.add.f32 [tilespmem:s17], [sflag:$0x3], $0x10, s4, s28, $0xb8;
	[tilespmem:$0x1DB00] =	vst v63  }
0x78: {  	s21 =	sadd.s32 $0x1, s21;
	_ =	swait.ge [sflag:s26], $0x800  }
0x79: {  	p0 =	sne.s32 s21, $0x30E;
	[sflag:s26] =	ssyncset.done $0x0  }
.Ltmp2:
0x7a: {  	[sflag:s26] =	ssyncadd.s32 $0xFFFFF800;
	(pc) =	sbr.rel @p0 .LBB2_4-.Ltmp2, $4  }
0x7b: {  	[spmem:s3] =	stream.indirect.scatter.add.f32 [tilespmem:s18], [sflag:$0x3], $0x10, s28, s28, $0xb8;
	[tilespmem:$0x1DB00] =	vst v63  }
0x7c: {  	_ =	swait.ge [sflag:s26], $0x800  }
0x7d: {  	[sflag:s26] =	ssyncset.done $0x0  }
0x7e: {  	[sflag:s26] =	ssyncadd.s32 $0xFFFFF800  }
0x7f: {  	[bflag:$0x0] =	sbarrier.arrive $0xFFFF  }
0x80: {  	[tilespmem:s25], [sflag:$0x3] =	stream.linear.gather [spmem:s7], $0x3100, $0x38;
	[tilespmem:$0x1DB00] =	vst v63  }
0x81: {  	_ =	swait.ge [sflag:s26], $0x3100  }
0x82: {  	[sflag:s26] =	ssyncset.done $0x0  }
0x83: {  	s20 =	rddreg [dreg:$0x4];
	[sflag:s26] =	ssyncadd.s32 $0xFFFFCF00  }
0x84: {  	[hbm4b:s20+s4] =	stream.linear.scatter [tilespmem:s25], [sflag:$0x3], $0x3100, $0x38;
	[tilespmem:$0x1DB00] =	vst v63  }
0x85: {  	_ =	swait.ge [sflag:s26], $0x3100  }
0x86: {  	[sflag:s26] =	ssyncset.done $0x0  }
0x87: {  	[sflag:s26] =	ssyncadd.s32 $0xFFFFCF00  }
0x88: {  	[tilespmem:s25], [sflag:$0x3] =	stream.linear.gather [spmem:s8], $0x3100, $0x38;
	[tilespmem:$0x1DB00] =	vst v63  }
0x89: {  	_ =	swait.ge [sflag:s26], $0x3100  }
0x8a: {  	[sflag:s26] =	ssyncset.done $0x0  }
0x8b: {  	s21 =	rddreg [dreg:$0x5];
	[sflag:s26] =	ssyncadd.s32 $0xFFFFCF00  }
0x8c: {  	[hbm4b:s21+s4] =	stream.linear.scatter [tilespmem:s25], [sflag:$0x3], $0x3100, $0x38;
	[tilespmem:$0x1DB00] =	vst v63  }
0x8d: {  	_ =	swait.ge [sflag:s26], $0x3100  }
0x8e: {  	[sflag:s26] =	ssyncset.done $0x0  }
0x8f: {  	[sflag:s26] =	ssyncadd.s32 $0xFFFFCF00  }
0x90: {  	[tilespmem:s25], [sflag:$0x3] =	stream.linear.gather [spmem:s9], $0x3100, $0x38;
	[tilespmem:$0x1DB00] =	vst v63  }
0x91: {  	_ =	swait.ge [sflag:s26], $0x3100  }
0x92: {  	[sflag:s26] =	ssyncset.done $0x0  }
0x93: {  	s22 =	rddreg [dreg:$0x6];
	[sflag:s26] =	ssyncadd.s32 $0xFFFFCF00  }
0x94: {  	[hbm4b:s22+s4] =	stream.linear.scatter [tilespmem:s25], [sflag:$0x3], $0x3100, $0x38;
	[tilespmem:$0x1DB00] =	vst v63  }
0x95: {  	_ =	swait.ge [sflag:s26], $0x3100  }
0x96: {  	[sflag:s26] =	ssyncset.done $0x0  }
0x97: {  	[sflag:s26] =	ssyncadd.s32 $0xFFFFCF00  }
0x98: {  	[tilespmem:s25], [sflag:$0x3] =	stream.linear.gather [spmem:s10], $0x3100, $0x38;
	[tilespmem:$0x1DB00] =	vst v63  }
0x99: {  	_ =	swait.ge [sflag:s26], $0x3100  }
0x9a: {  	[sflag:s26] =	ssyncset.done $0x0  }
0x9b: {  	s23 =	rddreg [dreg:$0x7];
	[sflag:s26] =	ssyncadd.s32 $0xFFFFCF00  }
0x9c: {  	[hbm4b:s23+s4] =	stream.linear.scatter [tilespmem:s25], [sflag:$0x3], $0x3100, $0x38;
	[tilespmem:$0x1DB00] =	vst v63  }
0x9d: {  	_ =	swait.ge [sflag:s26], $0x3100  }
0x9e: {  	[sflag:s26] =	ssyncset.done $0x0  }
0x9f: {  	[sflag:s26] =	ssyncadd.s32 $0xFFFFCF00  }
0xa0: {  	[tilespmem:s25], [sflag:$0x3] =	stream.linear.gather [spmem:s11], $0x3100, $0x38;
	[tilespmem:$0x1DB00] =	vst v63  }
0xa1: {  	_ =	swait.ge [sflag:s26], $0x3100  }
0xa2: {  	[sflag:s26] =	ssyncset.done $0x0  }
0xa3: {  	s24 =	rddreg [dreg:$0x8];
	[sflag:s26] =	ssyncadd.s32 $0xFFFFCF00  }
0xa4: {  	[hbm4b:s24+s4] =	stream.linear.scatter [tilespmem:s25], [sflag:$0x3], $0x3100, $0x38;
	[tilespmem:$0x1DB00] =	vst v63  }
0xa5: {  	_ =	swait.ge [sflag:s26], $0x3100  }
0xa6: {  	[sflag:s26] =	ssyncset.done $0x0  }
0xa7: {  	[sflag:s26] =	ssyncadd.s32 $0xFFFFCF00  }
0xa8: {  	[tilespmem:s25], [sflag:$0x3] =	stream.linear.gather [spmem:s12], $0x3100, $0x38;
	[tilespmem:$0x1DB00] =	vst v63  }
0xa9: {  	_ =	swait.ge [sflag:s26], $0x3100  }
0xaa: {  	[sflag:s26] =	ssyncset.done $0x0  }
0xab: {  	s21 =	rddreg [dreg:$0x9];
	[sflag:s26] =	ssyncadd.s32 $0xFFFFCF00  }
0xac: {  	[hbm4b:s21+s4] =	stream.linear.scatter [tilespmem:s25], [sflag:$0x3], $0x3100, $0x38;
	[tilespmem:$0x1DB00] =	vst v63  }
0xad: {  	_ =	swait.ge [sflag:s26], $0x3100  }
0xae: {  	[sflag:s26] =	ssyncset.done $0x0  }
0xaf: {  	[sflag:s26] =	ssyncadd.s32 $0xFFFFCF00  }
0xb0: {  	[tilespmem:s25], [sflag:$0x3] =	stream.linear.gather [spmem:s13], $0x3100, $0x38;
	[tilespmem:$0x1DB00] =	vst v63  }
0xb1: {  	_ =	swait.ge [sflag:s26], $0x3100  }
0xb2: {  	[sflag:s26] =	ssyncset.done $0x0  }
0xb3: {  	s22 =	rddreg [dreg:$0xa];
	[sflag:s26] =	ssyncadd.s32 $0xFFFFCF00  }
0xb4: {  	[hbm4b:s22+s4] =	stream.linear.scatter [tilespmem:s25], [sflag:$0x3], $0x3100, $0x38;
	[tilespmem:$0x1DB00] =	vst v63  }
0xb5: {  	_ =	swait.ge [sflag:s26], $0x3100  }
0xb6: {  	[sflag:s26] =	ssyncset.done $0x0  }
0xb7: {  	[sflag:s26] =	ssyncadd.s32 $0xFFFFCF00  }
0xb8: {  	[tilespmem:s25], [sflag:$0x3] =	stream.linear.gather [spmem:s14], $0x3100, $0x38;
	[tilespmem:$0x1DB00] =	vst v63  }
0xb9: {  	_ =	swait.ge [sflag:s26], $0x3100  }
0xba: {  	[sflag:s26] =	ssyncset.done $0x0  }
0xbb: {  	s23 =	rddreg [dreg:$0xb];
	[sflag:s26] =	ssyncadd.s32 $0xFFFFCF00  }
0xbc: {  	[hbm4b:s23+s4] =	stream.linear.scatter [tilespmem:s25], [sflag:$0x3], $0x3100, $0x38;
	[tilespmem:$0x1DB00] =	vst v63  }
0xbd: {  	_ =	swait.ge [sflag:s26], $0x3100  }
0xbe: {  	s19 =	sadd.s32 $0x1, s19;
	s24 =	rddreg [dreg:$0xc]  }
0xbf: {  	p0 =	sne.s32 s19, s24  }
.Ltmp3:
0xc0: {  	_ = 	snop;
	(pc) =	sbr.rel @p0 .LBB2_1-.Ltmp3, $3  }
0xc1: {  	_ =	sdelay $0x1  }
0xc2: {  	[sflag:s26] =	ssyncset.done $0x0  }
0xc3: {  	[sflag:s26] =	ssyncadd.s32 $0xFFFFCF00  }
0xc4: {  	_ =	sfence.sel $0x180000  }
0xc5: {  	[bflag:$0x0] =	sbarrier.arrive $0xFFFF  }
0xc6: {  	_ =	strace $0x90000047  }
0xc7: {  	s0 =	stileid.u32;
	[bflag:$0x2] =	sbarrier.arrive $0xFFFF  }
0xc8: {  	p0 =	sne.s32 s0, $0x0;
	s0 =	rddreg [dreg:$0x3]  }
0xc9: {  	s0 =	sadd.s32 @!p0 $0x100000, s0  }
0xca: {  	[sflag:s0] =	ssyncadd.tile.s32 @!p0 $0x1;
	_ =	shalt  }
.Lfunc_end2:
_tile_overlayer_lowered:
.L_overlay_start_2:
0xcb: {  	(tag) =	ssettag $0x2  }
0xcc: {  	s0 =	rddreg [dreg:$0x0];
	s2 =	stileid.u32  }
0xcd: {  	s1 =	rddreg [dreg:$0x1];
	p0 =	sne.s32 s2, $0x0  }
0xce: {  	s3 =	rddreg [dreg:$0x2];
	[bflag:$0x3] =	sbarrier.arrive $0xFFFF;
	s2 =	simm.s32 @!p0 $0x1C03  }
0xcf: {  	[timem:s3], [sflag:s2] =	dma.local @!p0 [hbm:s0], s1  }
0xd0: {  	s0 =	simm.s32 @!p0 $0x3  }
0xd1: {  	_ =	swait.ge @!p0 [sflag:s0], s1  }
0xd2: {  	s1 =	ssub.s32 @!p0 $0x0, s1;
	[sflag:s0] =	ssyncset.done @!p0 $0x0  }
0xd3: {  	[sflag:s0] =	ssyncadd.s32 @!p0 s1  }
0xd4: {  	[bflag:$0x3] =	sbarrier.arrive $0xFFFF  }
0xd5: {  	_ =	shalt  }

</sc_bundles>
